<compile_context>
chip_gen: v7x
topology: tpu7x:2x2x1
jax: 0.10.2.dev20260603
libtpu: 0.0.44.dev20260713+nightly
codegen_flags: <defaults>
</compile_context>

<pallas_src>
import functools
import jax
import jax.numpy as jnp
from jax import lax
from jax.experimental import pallas as pl
from jax.experimental.pallas import tpu as pltpu
from jax.experimental.pallas import tpu_sc as plsc

_IMG = 512
_MAXB = 150
_THR = 0.3
_IOU = 0.1
_DEAD = -1e30
_NEG = -3e38

_N = 3 * (16 * 16 + 32 * 32 + 64 * 64)
_C = 80
_B = 4
_P = _B * _C
_TBL = 160
_K = 2048
_KPAD = _K + 16
_NEDGE = 32
_NCHUNK = _N // 16
_NW = 32
_PPW = _P // _NW


def _decode_kernel(traw_ref, aux_ref, prob_ref, sm_ref, crd_ref):
    tx = traw_ref[0, 0:1, :]
    ty = traw_ref[0, 1:2, :]
    tw = traw_ref[0, 2:3, :]
    th = traw_ref[0, 3:4, :]
    cf = traw_ref[0, 4:5, :]
    gxr = aux_ref[0:1, :]
    gyr = aux_ref[1:2, :]
    aw = aux_ref[2:3, :]
    ah = aux_ref[3:4, :]
    r = aux_ref[4:5, :]

    cx = jax.nn.sigmoid(tx) * r + gxr
    cy = jax.nn.sigmoid(ty) * r + gyr
    w = jnp.exp(tw) * aw
    h = jnp.exp(th) * ah
    x1 = cx - w * 0.5
    y1 = cy - h * 0.5
    x2 = cx + w * 0.5
    y2 = cy + h * 0.5
    crd_ref[0, 0:1, :] = x1
    crd_ref[0, 1:2, :] = y1
    crd_ref[0, 2:3, :] = x2
    crd_ref[0, 3:4, :] = y2
    crd_ref[0, 4:8, :] = jnp.zeros((4, _N), jnp.float32)

    score = jax.nn.sigmoid(cf) * jax.nn.sigmoid(prob_ref[0])

    tau = jnp.full((_C, 1), 2.0, jnp.float32)
    for k in range(_NEDGE - 2, -1, -1):
        e = _THR + 0.02 * k
        cnt = jnp.sum((score > e).astype(jnp.float32), axis=1, keepdims=True)
        tau = jnp.where(cnt <= float(_K), jnp.float32(e), tau)
    sm_ref[0] = jnp.where(score > tau, score, _DEAD)


def _compact_sc(sm_hbm, crd_hbm, cs_hbm, cx1_hbm, cy1_hbm, cx2_hbm, cy2_hbm,
                sv, xv, yv, Xv, Yv, csb, cib, bx1, by1, bx2, by2):
    wid = lax.axis_index("s") * 2 + lax.axis_index("c")
    iota16 = lax.iota(jnp.int32, 16)
    deadv = jnp.full((16,), _DEAD, jnp.float32)
    zerov = jnp.zeros((16,), jnp.int32)

    b = wid // 8
    pltpu.sync_copy(crd_hbm.at[b, 0], xv)
    pltpu.sync_copy(crd_hbm.at[b, 1], yv)
    pltpu.sync_copy(crd_hbm.at[b, 2], Xv)
    pltpu.sync_copy(crd_hbm.at[b, 3], Yv)

    def do_problem(j, _):
        p = b * _C + (wid % 8) * _PPW + j
        pltpu.sync_copy(sm_hbm.at[p], sv)

        def init_body(k, _):
            csb[pl.ds(k * 16, 16)] = deadv
            cib[pl.ds(k * 16, 16)] = zerov
            return 0

        lax.fori_loop(0, _KPAD // 16, init_body, 0)

        def compact_body(i, carry):
            off, base = carry
            for u in range(2):
                v = sv[pl.ds((i * 2 + u) * 16, 16)]
                msk = v > 0.0
                mi = msk.astype(jnp.int32)
                cum = plsc.cumsum(mi)
                slot = jnp.where(msk, off + cum - 1, _K + iota16)
                plsc.store_scatter(csb, [slot], v)
                plsc.store_scatter(cib, [slot], base)
                off = off + plsc.all_reduce_population_count(msk)
                base = base + 16
            return (off, base)

        lax.fori_loop(0, _NCHUNK // 2, compact_body,
                      (jnp.zeros((16,), jnp.int32), iota16))

        def gather_body(g, _):
            iv = cib[pl.ds(g * 16, 16)]
            bx1[pl.ds(g * 16, 16)] = plsc.load_gather(xv, [iv])
            by1[pl.ds(g * 16, 16)] = plsc.load_gather(yv, [iv])
            bx2[pl.ds(g * 16, 16)] = plsc.load_gather(Xv, [iv])
            by2[pl.ds(g * 16, 16)] = plsc.load_gather(Yv, [iv])
            return 0

        lax.fori_loop(0, _K // 16, gather_body, 0)

        pltpu.sync_copy(csb.at[pl.ds(0, _K)], cs_hbm.at[p])
        pltpu.sync_copy(bx1.at[pl.ds(0, _K)], cx1_hbm.at[p])
        pltpu.sync_copy(by1.at[pl.ds(0, _K)], cy1_hbm.at[p])
        pltpu.sync_copy(bx2.at[pl.ds(0, _K)], cx2_hbm.at[p])
        pltpu.sync_copy(by2.at[pl.ds(0, _K)], cy2_hbm.at[p])
        return 0

    lax.fori_loop(0, _PPW, do_problem, 0)


def _nms_kernel(cs_ref, cx1_ref, cy1_ref, cx2_ref, cy2_ref,
                ob_ref, os_ref, ol_ref,
                s_ref, ts_ref, tx1_ref, ty1_ref, tx2_ref, ty2_ref):
    x1 = cx1_ref[...]
    y1 = cy1_ref[...]
    x2 = cx2_ref[...]
    y2 = cy2_ref[...]
    area = jnp.maximum(x2 - x1, 0.0) * jnp.maximum(y2 - y1, 0.0)
    s_ref[...] = cs_ref[...]

    init_tbl = jnp.full((_P, _TBL), _DEAD, dtype=jnp.float32)
    ts_ref[...] = init_tbl
    tx1_ref[...] = init_tbl
    ty1_ref[...] = init_tbl
    tx2_ref[...] = init_tbl
    ty2_ref[...] = init_tbl

    lane_k = jax.lax.broadcasted_iota(jnp.int32, (_P, _K), 1)
    lane_t = jax.lax.broadcasted_iota(jnp.int32, (_P, _TBL), 1)

    def nms_body(t, _):
        s = s_ref[...]
        m = jnp.max(s, axis=1, keepdims=True)
        idx = jnp.min(jnp.where(s == m, lane_k, _K), axis=1, keepdims=True)
        onehot = lane_k == idx
        sx1 = jnp.max(jnp.where(onehot, x1, _NEG), axis=1, keepdims=True)
        sy1 = jnp.max(jnp.where(onehot, y1, _NEG), axis=1, keepdims=True)
        sx2 = jnp.max(jnp.where(onehot, x2, _NEG), axis=1, keepdims=True)
        sy2 = jnp.max(jnp.where(onehot, y2, _NEG), axis=1, keepdims=True)
        sar = jnp.maximum(sx2 - sx1, 0.0) * jnp.maximum(sy2 - sy1, 0.0)

        xx1 = jnp.maximum(sx1, x1)
        yy1 = jnp.maximum(sy1, y1)
        xx2 = jnp.minimum(sx2, x2)
        yy2 = jnp.minimum(sy2, y2)
        inter = jnp.maximum(xx2 - xx1, 0.0) * jnp.maximum(yy2 - yy1, 0.0)
        union = sar + area - inter
        iou = jnp.where(union > 0.0, inter / jnp.maximum(union, 1e-12), 0.0)
        s_ref[...] = jnp.where((iou > _IOU) | onehot, _DEAD, s)

        sel = lane_t == t
        ts_ref[...] = jnp.where(sel, m, ts_ref[...])
        tx1_ref[...] = jnp.where(sel, sx1, tx1_ref[...])
        ty1_ref[...] = jnp.where(sel, sy1, ty1_ref[...])
        tx2_ref[...] = jnp.where(sel, sx2, tx2_ref[...])
        ty2_ref[...] = jnp.where(sel, sy2, ty2_ref[...])
        return 0

    jax.lax.fori_loop(0, _MAXB, nms_body, 0)

    flat = (jax.lax.broadcasted_iota(jnp.int32, (_B, _C, _TBL), 1) * _TBL
            + jax.lax.broadcasted_iota(jnp.int32, (_B, _C, _TBL), 2))
    big = jnp.int32(_C * _TBL)

    def merge_body(i, _):
        tbl = ts_ref[...].reshape(_B, _C, _TBL)
        m = jnp.max(tbl, axis=(1, 2), keepdims=True)
        okv = m > -1e29
        fp = jnp.min(jnp.where(tbl == m, flat, big), axis=(1, 2),
                     keepdims=True)
        oh = flat == fp
        b1 = jnp.max(jnp.where(oh, tx1_ref[...].reshape(_B, _C, _TBL), _NEG),
                     axis=(1, 2), keepdims=True)
        b2 = jnp.max(jnp.where(oh, ty1_ref[...].reshape(_B, _C, _TBL), _NEG),
                     axis=(1, 2), keepdims=True)
        b3 = jnp.max(jnp.where(oh, tx2_ref[...].reshape(_B, _C, _TBL), _NEG),
                     axis=(1, 2), keepdims=True)
        b4 = jnp.max(jnp.where(oh, ty2_ref[...].reshape(_B, _C, _TBL), _NEG),
                     axis=(1, 2), keepdims=True)
        lab = fp // _TBL
        box = jnp.concatenate([b1, b2, b3, b4], axis=2)
        ob_ref[:, pl.ds(i, 1), :] = jnp.where(okv, box, -1.0)
        os_ref[:, pl.ds(i, 1), :] = jnp.where(okv, m, -1.0)
        ol_ref[:, pl.ds(i, 1), :] = jnp.where(okv, lab, -1).astype(jnp.int32)
        ts_ref[...] = jnp.where(oh, _DEAD, tbl).reshape(_P, _TBL)
        return 0

    jax.lax.fori_loop(0, _MAXB, merge_body, 0)


def _prep(fm0, fm1, fm2, anchors):
    B = fm0.shape[0]
    flats = []
    for fm in (fm0, fm1, fm2):
        Hh = fm.shape[1]
        flats.append(fm.reshape(B, Hh * Hh * 3, 5 + _C))
    flat = jnp.concatenate(flats, axis=1)
    flat_t = jnp.transpose(flat, (0, 2, 1))
    traw = jnp.concatenate(
        [flat_t[:, 0:5, :], jnp.zeros((B, 3, _N), jnp.float32)], axis=1)
    prob = flat_t[:, 5:, :]

    aux_rows = []
    anchor_slices = [anchors[6:9], anchors[3:6], anchors[0:3]]
    for fm, anc in zip((fm0, fm1, fm2), anchor_slices):
        Hh = fm.shape[1]
        ratio = jnp.float32(_IMG / Hh)
        gx = jnp.broadcast_to(jnp.arange(Hh, dtype=jnp.float32)[None, :, None],
                              (Hh, Hh, 3)).reshape(-1)
        gy = jnp.broadcast_to(jnp.arange(Hh, dtype=jnp.float32)[:, None, None],
                              (Hh, Hh, 3)).reshape(-1)
        aw = jnp.broadcast_to(anc[None, :, 0], (Hh * Hh, 3)).reshape(-1)
        ah = jnp.broadcast_to(anc[None, :, 1], (Hh * Hh, 3)).reshape(-1)
        rr = jnp.full((Hh * Hh * 3,), ratio, jnp.float32)
        aux_rows.append(jnp.stack([gx * ratio, gy * ratio, aw, ah, rr], 0))
    aux = jnp.concatenate(aux_rows, axis=1)
    aux = jnp.concatenate([aux, jnp.zeros((3, _N), jnp.float32)], axis=0)
    return traw, aux, prob


def _decode_call(traw, aux, prob):
    return pl.pallas_call(
        _decode_kernel,
        grid=(_B,),
        in_specs=[
            pl.BlockSpec((1, 8, _N), lambda b: (b, 0, 0)),
            pl.BlockSpec((8, _N), lambda b: (0, 0)),
            pl.BlockSpec((1, _C, _N), lambda b: (b, 0, 0)),
        ],
        out_specs=[
            pl.BlockSpec((1, _C, _N), lambda b: (b, 0, 0)),
            pl.BlockSpec((1, 8, _N), lambda b: (b, 0, 0)),
        ],
        out_shape=[
            jax.ShapeDtypeStruct((_B, _C, _N), jnp.float32),
            jax.ShapeDtypeStruct((_B, 8, _N), jnp.float32),
        ],
    )(traw, aux, prob)


def _compact_call(sm, crd):
    compact = functools.partial(
        pl.kernel,
        mesh=plsc.VectorSubcoreMesh(core_axis_name="c", subcore_axis_name="s"),
        compiler_params=pltpu.CompilerParams(needs_layout_passes=False),
        out_type=[jax.ShapeDtypeStruct((_P, _K), jnp.float32)
                  for _ in range(5)],
        scratch_types=[
            pltpu.VMEM((_N,), jnp.float32),
            pltpu.VMEM((_N,), jnp.float32),
            pltpu.VMEM((_N,), jnp.float32),
            pltpu.VMEM((_N,), jnp.float32),
            pltpu.VMEM((_N,), jnp.float32),
            pltpu.VMEM((_KPAD,), jnp.float32),
            pltpu.VMEM((_KPAD,), jnp.int32),
            pltpu.VMEM((_K,), jnp.float32),
            pltpu.VMEM((_K,), jnp.float32),
            pltpu.VMEM((_K,), jnp.float32),
            pltpu.VMEM((_K,), jnp.float32),
        ],
    )(_compact_sc)
    return compact(sm, crd)


def _nms_call(cs, cx1, cy1, cx2, cy2):
    return pl.pallas_call(
        _nms_kernel,
        out_shape=[
            jax.ShapeDtypeStruct((_B, _TBL, 4), jnp.float32),
            jax.ShapeDtypeStruct((_B, _TBL, 1), jnp.float32),
            jax.ShapeDtypeStruct((_B, _TBL, 1), jnp.int32),
        ],
        scratch_shapes=[
            pltpu.VMEM((_P, _K), jnp.float32),
            pltpu.VMEM((_P, _TBL), jnp.float32),
            pltpu.VMEM((_P, _TBL), jnp.float32),
            pltpu.VMEM((_P, _TBL), jnp.float32),
            pltpu.VMEM((_P, _TBL), jnp.float32),
            pltpu.VMEM((_P, _TBL), jnp.float32),
        ],
    )(cs, cx1, cy1, cx2, cy2)


@jax.jit
def _predict(fm0, fm1, fm2, anchors):
    traw, aux, prob = _prep(fm0, fm1, fm2, anchors)
    sm, crd = _decode_call(traw, aux, prob)
    cs, cx1, cy1, cx2, cy2 = _compact_call(sm.reshape(_P, _N), crd)
    ob, os_, ol = _nms_call(cs, cx1, cy1, cx2, cy2)
    out_b = ob[:, :_MAXB, :]
    out_s = os_[:, :_MAXB, 0]
    out_l = ol[:, :_MAXB, 0]
    return out_b, out_s, out_l


def kernel(fm0, fm1, fm2, anchors, CLASS):
    return _predict(fm0, fm1, fm2, anchors)

# --- scband reference (transcript-rebuilt; emitter-appended) ---
"""Pipeline reference for scband-predict-9259949490487 (READ-ONLY COPY).

The authoritative reference and input builder live on the scoring server;
editing this copy changes nothing except your own understanding.
"""

import jax, jax.numpy as jnp
import numpy as np

IMAGE_SIZE = 512
MAX_BOXES = 150
THRESHOLD = 0.3
IOU_THRESHOLD = 0.1


def _process_layer(feature_map, anchors3, num_class):
    B, H, W, _ = feature_map.shape
    ratio = jnp.array([IMAGE_SIZE / H, IMAGE_SIZE / W], dtype=jnp.float32)
    rescaled_anchors = anchors3 / ratio[::-1]
    fm = feature_map.reshape(B, H, W, 3, 5 + num_class)
    box_centers = jax.nn.sigmoid(fm[..., 0:2])
    box_sizes = fm[..., 2:4]
    conf = fm[..., 4:5]
    prob = fm[..., 5:]
    gx, gy = jnp.meshgrid(jnp.arange(W), jnp.arange(H))
    xy = jnp.stack([gx, gy], axis=-1).reshape(H, W, 1, 2).astype(jnp.float32)
    box_centers = (box_centers + xy) * ratio[::-1]
    box_sizes = jnp.exp(box_sizes) * rescaled_anchors * ratio[::-1]
    boxes = jnp.concatenate([box_centers, box_sizes], axis=-1)
    n = H * W * 3
    return (boxes.reshape(B, n, 4),
            jax.nn.sigmoid(conf).reshape(B, n, 1),
            jax.nn.sigmoid(prob).reshape(B, n, num_class))


def _decode(fm0, fm1, fm2, anchors, num_class):
    pairs = [(fm0, anchors[6:9]), (fm1, anchors[3:6]), (fm2, anchors[0:3])]
    bl, cl, pl = [], [], []
    for fm, anc in pairs:
        b, c, p = _process_layer(fm, anc, num_class)
        bl.append(b); cl.append(c); pl.append(p)
    boxes = jnp.concatenate(bl, axis=1)
    conf = jnp.concatenate(cl, axis=1)
    prob = jnp.concatenate(pl, axis=1)
    cx = boxes[..., 0]; cy = boxes[..., 1]; w = boxes[..., 2]; h = boxes[..., 3]
    boxes = jnp.stack([cx - w / 2, cy - h / 2, cx + w / 2, cy + h / 2], axis=-1)
    return boxes, conf * prob


def _nms_fixed(boxes, score):
    N = score.shape[0]
    alive0 = score > THRESHOLD
    order = jnp.argsort(-score)
    rank = jnp.zeros((N,), dtype=jnp.int32).at[order].set(
        jnp.arange(N, dtype=jnp.int32))
    x1 = boxes[:, 0]; y1 = boxes[:, 1]; x2 = boxes[:, 2]; y2 = boxes[:, 3]
    areas = jnp.maximum(x2 - x1, 0.0) * jnp.maximum(y2 - y1, 0.0)
    idx_range = jnp.arange(N)

    def body(t, state):
        alive, sel_idx, sel_valid = state
        mrank = jnp.where(alive, rank, N)
        i = jnp.argmin(mrank)
        valid = alive[i]
        xx1 = jnp.maximum(x1[i], x1)
        yy1 = jnp.maximum(y1[i], y1)
        xx2 = jnp.minimum(x2[i], x2)
        yy2 = jnp.minimum(y2[i], y2)
        inter = jnp.maximum(0.0, xx2 - xx1) * jnp.maximum(0.0, yy2 - yy1)
        union = areas[i] + areas - inter
        iou = jnp.where(union > 0, inter / jnp.maximum(union, 1e-12), 0.0)
        keep = (iou <= IOU_THRESHOLD) & (idx_range != i)
        alive = jnp.where(valid, alive & keep, alive)
        sel_idx = sel_idx.at[t].set(jnp.where(valid, i.astype(jnp.int32), 0))
        sel_valid = sel_valid.at[t].set(valid)
        return alive, sel_idx, sel_valid

    init = (alive0,
            jnp.zeros((MAX_BOXES,), dtype=jnp.int32),
            jnp.zeros((MAX_BOXES,), dtype=bool))
    _, sel_idx, sel_valid = jax.lax.fori_loop(0, MAX_BOXES, body, init)
    return sel_idx, sel_valid


def _select_fixed(boxes, scores):
    C = scores.shape[1]
    sel_idx, sel_valid = jax.vmap(_nms_fixed, in_axes=(None, 1))(boxes, scores)
    labels = jnp.broadcast_to(jnp.arange(C)[:, None], (C, MAX_BOXES))
    flat_idx = sel_idx.reshape(-1)
    flat_valid = sel_valid.reshape(-1)
    flat_lab = labels.reshape(-1)
    sc = scores[flat_idx, flat_lab]
    key = jnp.where(flat_valid, sc, -jnp.inf)
    top = jnp.argsort(-key)[:MAX_BOXES]
    t_idx = flat_idx[top]
    t_lab = flat_lab[top]
    t_valid = flat_valid[top]
    out_b = jnp.where(t_valid[:, None], boxes[t_idx], -1.0)
    out_s = jnp.where(t_valid, scores[t_idx, t_lab], -1.0)
    out_l = jnp.where(t_valid, t_lab.astype(jnp.int32), -1)
    return out_b, out_s, out_l


def setup_inputs(seed: int = 0):
    key = jax.random.key(seed)
    k0, k1, k2, k3 = jax.random.split(key, 4)
    CLASS = 80
    ch = 3 * (5 + CLASS)
    fm0 = jax.random.normal(k0, (4, 16, 16, ch), dtype=jnp.float32)
    fm1 = jax.random.normal(k1, (4, 32, 32, ch), dtype=jnp.float32)
    fm2 = jax.random.normal(k2, (4, 64, 64, ch), dtype=jnp.float32)
    anchors = jax.random.uniform(k3, (9, 2), dtype=jnp.float32, minval=10.0, maxval=300.0)
    anchors = jnp.sort(anchors, axis=0)
    return {"fm0": fm0, "fm1": fm1, "fm2": fm2, "anchors": anchors, "CLASS": CLASS}


def reference(fm0, fm1, fm2, anchors, CLASS):
    num_class = fm0.shape[-1] // 3 - 5
    boxes, scores = _decode(fm0, fm1, fm2, anchors, num_class)
    scores = scores + jnp.asarray(CLASS, dtype=scores.dtype) * 0.0
    out_b, out_s, out_l = jax.vmap(_select_fixed)(boxes, scores)
    return out_b, out_s, out_l

if __name__ == "__main__":
    import jax
    _d = setup_inputs()
    print(jax.jit(kernel)(*tuple(_d.values())))

</pallas_src>

<mosaic_0001>
#map = affine_map<(d0, d1) -> (0, 0)>
#map1 = affine_map<(d0, d1) -> (0, 0, 0)>
module attributes {stable_mosaic.version = 14 : i64} {
  func.func @_compact_sc(%arg0: i32, %arg1: i32, %arg2: memref<320x16128xf32, #tpu.memory_space<hbm>>, %arg3: memref<4x8x16128xf32, #tpu.memory_space<hbm>>, %arg4: memref<320x2048xf32, #tpu.memory_space<hbm>>, %arg5: memref<320x2048xf32, #tpu.memory_space<hbm>>, %arg6: memref<320x2048xf32, #tpu.memory_space<hbm>>, %arg7: memref<320x2048xf32, #tpu.memory_space<hbm>>, %arg8: memref<320x2048xf32, #tpu.memory_space<hbm>>, %arg9: memref<16128xf32, #tpu.memory_space<vmem>>, %arg10: memref<16128xf32, #tpu.memory_space<vmem>>, %arg11: memref<16128xf32, #tpu.memory_space<vmem>>, %arg12: memref<16128xf32, #tpu.memory_space<vmem>>, %arg13: memref<16128xf32, #tpu.memory_space<vmem>>, %arg14: memref<2064xf32, #tpu.memory_space<vmem>>, %arg15: memref<2064xi32, #tpu.memory_space<vmem>>, %arg16: memref<2048xf32, #tpu.memory_space<vmem>>, %arg17: memref<2048xf32, #tpu.memory_space<vmem>>, %arg18: memref<2048xf32, #tpu.memory_space<vmem>>, %arg19: memref<2048xf32, #tpu.memory_space<vmem>>) attributes {dimension_semantics = [#tpu.dimension_semantics<core_parallel>, #tpu.dimension_semantics<subcore_parallel>], iteration_bounds = array<i64: 2, 16>, scalar_prefetch = 0 : i64, scratch_operands = 11 : i64, tpu.core_type = #tpu.core_type<sc_vector_subcore>, window_params = [{transform_indices = #map}, {transform_indices = #map1}, {transform_indices = #map}, {transform_indices = #map}, {transform_indices = #map}, {transform_indices = #map}, {transform_indices = #map}]} {
    %mul3A = arith.constant 2 : i32
    %mul3A_0 = arith.muli %arg1, %mul3A : i32
    %add3A = arith.addi %mul3A_0, %arg0 : i32
    %iota3A = tpu.iota {dimensions = array<i32: 0>} : vector<16xi32>
    %broadcast_in_dim3A = arith.constant -1.000000e+30 : f32
    %broadcast_in_dim3A_1 = vector.broadcast %broadcast_in_dim3A : f32 to vector<16xf32>
    %broadcast_in_dim3A_2 = arith.constant 0 : i32
    %broadcast_in_dim3A_3 = vector.broadcast %broadcast_in_dim3A_2 : i32 to vector<16xi32>
    %jit3A = arith.constant 8 : i32
    %div3A = arith.divsi %add3A, %jit3A : i32
    %sign3A = arith.constant 0 : i32
    %sign3A_4 = arith.cmpi sgt, %add3A, %sign3A : i32
    %sign3A_5 = arith.extui %sign3A_4 : i1 to i32
    %sign3A_6 = arith.constant 0 : i32
    %sign3A_7 = arith.cmpi slt, %add3A, %sign3A_6 : i32
    %sign3A_8 = arith.extui %sign3A_7 : i1 to i32
    %sign3A_9 = arith.subi %sign3A_5, %sign3A_8 : i32
    %sign3A_10 = arith.constant 0 : i32
    %sign3A_11 = arith.cmpi sgt, %jit3A, %sign3A_10 : i32
    %sign3A_12 = arith.extui %sign3A_11 : i1 to i32
    %sign3A_13 = arith.constant 0 : i32
    %sign3A_14 = arith.cmpi slt, %jit3A, %sign3A_13 : i32
    %sign3A_15 = arith.extui %sign3A_14 : i1 to i32
    %sign3A_16 = arith.subi %sign3A_12, %sign3A_15 : i32
    %ne3A = arith.cmpi ne, %sign3A_9, %sign3A_16 : i32
    %rem3A = arith.remsi %add3A, %jit3A : i32
    %ne3A_17 = arith.constant 0 : i32
    %ne3A_18 = arith.cmpi ne, %rem3A, %ne3A_17 : i32
    %and3A = arith.andi %ne3A, %ne3A_18 : i1
    %sub3A = arith.constant 1 : i32
    %sub3A_19 = arith.subi %div3A, %sub3A : i32
    %select_n3A = arith.select %and3A, %sub3A_19, %div3A : i32
    %run_scoped3A = arith.constant 0 : i32
    "tpu.region"() ({
      %run_scoped3A_29 = tpu.sem_alloc : memref<!tpu.dma_semaphore, #tpu.memory_space<semaphore_mem>>
      %dma_start3A = arith.constant 0 : i32
      %dma_start3A_30 = tpu.memref_slice %arg3[%select_n3A, %run_scoped3A, %dma_start3A] : memref<4x8x16128xf32, #tpu.memory_space<hbm>> -> memref<1x1x16128xf32, #tpu.memory_space<hbm>>
      %dma_start3A_31 = tpu.memref_squeeze %dma_start3A_30 : memref<1x1x16128xf32, #tpu.memory_space<hbm>> -> memref<16128xf32, #tpu.memory_space<hbm>>
      %dma_start3A_32 = arith.constant 0 : i32
      %dma_start3A_33 = tpu.memref_slice %arg3[%select_n3A, %run_scoped3A, %dma_start3A_32] : memref<4x8x16128xf32, #tpu.memory_space<hbm>> -> memref<1x1x16128xf32, #tpu.memory_space<hbm>>
      %dma_start3A_34 = tpu.memref_squeeze %dma_start3A_33 : memref<1x1x16128xf32, #tpu.memory_space<hbm>> -> memref<16128xf32, #tpu.memory_space<hbm>>
      tpu.enqueue_dma source(%dma_start3A_34 : memref<16128xf32, #tpu.memory_space<hbm>>) target(%arg10 : memref<16128xf32, #tpu.memory_space<vmem>>) target_semaphore(%run_scoped3A_29 : memref<!tpu.dma_semaphore, #tpu.memory_space<semaphore_mem>>)
      %dma_wait3A = arith.constant 0 : i32
      %dma_wait3A_35 = tpu.memref_slice %arg3[%select_n3A, %run_scoped3A, %dma_wait3A] : memref<4x8x16128xf32, #tpu.memory_space<hbm>> -> memref<1x1x16128xf32, #tpu.memory_space<hbm>>
      %dma_wait3A_36 = tpu.memref_squeeze %dma_wait3A_35 : memref<1x1x16128xf32, #tpu.memory_space<hbm>> -> memref<16128xf32, #tpu.memory_space<hbm>>
      %dma_wait3A_37 = arith.constant 0 : i32
      %dma_wait3A_38 = tpu.memref_slice %arg3[%select_n3A, %run_scoped3A, %dma_wait3A_37] : memref<4x8x16128xf32, #tpu.memory_space<hbm>> -> memref<1x1x16128xf32, #tpu.memory_space<hbm>>
      %dma_wait3A_39 = tpu.memref_squeeze %dma_wait3A_38 : memref<1x1x16128xf32, #tpu.memory_space<hbm>> -> memref<16128xf32, #tpu.memory_space<hbm>>
      tpu.wait_dma2 semaphore(%run_scoped3A_29 : memref<!tpu.dma_semaphore, #tpu.memory_space<semaphore_mem>>) src(%dma_wait3A_39 : memref<16128xf32, #tpu.memory_space<hbm>>) dst(%arg10 : memref<16128xf32, #tpu.memory_space<vmem>>)
      tpu.yield
    }) : () -> ()
    %run_scoped3A_20 = arith.constant 1 : i32
    "tpu.region"() ({
      %run_scoped3A_29 = tpu.sem_alloc : memref<!tpu.dma_semaphore, #tpu.memory_space<semaphore_mem>>
      %dma_start3A = arith.constant 0 : i32
      %dma_start3A_30 = tpu.memref_slice %arg3[%select_n3A, %run_scoped3A_20, %dma_start3A] : memref<4x8x16128xf32, #tpu.memory_space<hbm>> -> memref<1x1x16128xf32, #tpu.memory_space<hbm>>
      %dma_start3A_31 = tpu.memref_squeeze %dma_start3A_30 : memref<1x1x16128xf32, #tpu.memory_space<hbm>> -> memref<16128xf32, #tpu.memory_space<hbm>>
      %dma_start3A_32 = arith.constant 0 : i32
      %dma_start3A_33 = tpu.memref_slice %arg3[%select_n3A, %run_scoped3A_20, %dma_start3A_32] : memref<4x8x16128xf32, #tpu.memory_space<hbm>> -> memref<1x1x16128xf32, #tpu.memory_space<hbm>>
      %dma_start3A_34 = tpu.memref_squeeze %dma_start3A_33 : memref<1x1x16128xf32, #tpu.memory_space<hbm>> -> memref<16128xf32, #tpu.memory_space<hbm>>
      tpu.enqueue_dma source(%dma_start3A_34 : memref<16128xf32, #tpu.memory_space<hbm>>) target(%arg11 : memref<16128xf32, #tpu.memory_space<vmem>>) target_semaphore(%run_scoped3A_29 : memref<!tpu.dma_semaphore, #tpu.memory_space<semaphore_mem>>)
      %dma_wait3A = arith.constant 0 : i32
      %dma_wait3A_35 = tpu.memref_slice %arg3[%select_n3A, %run_scoped3A_20, %dma_wait3A] : memref<4x8x16128xf32, #tpu.memory_space<hbm>> -> memref<1x1x16128xf32, #tpu.memory_space<hbm>>
      %dma_wait3A_36 = tpu.memref_squeeze %dma_wait3A_35 : memref<1x1x16128xf32, #tpu.memory_space<hbm>> -> memref<16128xf32, #tpu.memory_space<hbm>>
      %dma_wait3A_37 = arith.constant 0 : i32
      %dma_wait3A_38 = tpu.memref_slice %arg3[%select_n3A, %run_scoped3A_20, %dma_wait3A_37] : memref<4x8x16128xf32, #tpu.memory_space<hbm>> -> memref<1x1x16128xf32, #tpu.memory_space<hbm>>
      %dma_wait3A_39 = tpu.memref_squeeze %dma_wait3A_38 : memref<1x1x16128xf32, #tpu.memory_space<hbm>> -> memref<16128xf32, #tpu.memory_space<hbm>>
      tpu.wait_dma2 semaphore(%run_scoped3A_29 : memref<!tpu.dma_semaphore, #tpu.memory_space<semaphore_mem>>) src(%dma_wait3A_39 : memref<16128xf32, #tpu.memory_space<hbm>>) dst(%arg11 : memref<16128xf32, #tpu.memory_space<vmem>>)
      tpu.yield
    }) : () -> ()
    %run_scoped3A_21 = arith.constant 2 : i32
    "tpu.region"() ({
      %run_scoped3A_29 = tpu.sem_alloc : memref<!tpu.dma_semaphore, #tpu.memory_space<semaphore_mem>>
      %dma_start3A = arith.constant 0 : i32
      %dma_start3A_30 = tpu.memref_slice %arg3[%select_n3A, %run_scoped3A_21, %dma_start3A] : memref<4x8x16128xf32, #tpu.memory_space<hbm>> -> memref<1x1x16128xf32, #tpu.memory_space<hbm>>
      %dma_start3A_31 = tpu.memref_squeeze %dma_start3A_30 : memref<1x1x16128xf32, #tpu.memory_space<hbm>> -> memref<16128xf32, #tpu.memory_space<hbm>>
      %dma_start3A_32 = arith.constant 0 : i32
      %dma_start3A_33 = tpu.memref_slice %arg3[%select_n3A, %run_scoped3A_21, %dma_start3A_32] : memref<4x8x16128xf32, #tpu.memory_space<hbm>> -> memref<1x1x16128xf32, #tpu.memory_space<hbm>>
      %dma_start3A_34 = tpu.memref_squeeze %dma_start3A_33 : memref<1x1x16128xf32, #tpu.memory_space<hbm>> -> memref<16128xf32, #tpu.memory_space<hbm>>
      tpu.enqueue_dma source(%dma_start3A_34 : memref<16128xf32, #tpu.memory_space<hbm>>) target(%arg12 : memref<16128xf32, #tpu.memory_space<vmem>>) target_semaphore(%run_scoped3A_29 : memref<!tpu.dma_semaphore, #tpu.memory_space<semaphore_mem>>)
      %dma_wait3A = arith.constant 0 : i32
      %dma_wait3A_35 = tpu.memref_slice %arg3[%select_n3A, %run_scoped3A_21, %dma_wait3A] : memref<4x8x16128xf32, #tpu.memory_space<hbm>> -> memref<1x1x16128xf32, #tpu.memory_space<hbm>>
      %dma_wait3A_36 = tpu.memref_squeeze %dma_wait3A_35 : memref<1x1x16128xf32, #tpu.memory_space<hbm>> -> memref<16128xf32, #tpu.memory_space<hbm>>
      %dma_wait3A_37 = arith.constant 0 : i32
      %dma_wait3A_38 = tpu.memref_slice %arg3[%select_n3A, %run_scoped3A_21, %dma_wait3A_37] : memref<4x8x16128xf32, #tpu.memory_space<hbm>> -> memref<1x1x16128xf32, #tpu.memory_space<hbm>>
      %dma_wait3A_39 = tpu.memref_squeeze %dma_wait3A_38 : memref<1x1x16128xf32, #tpu.memory_space<hbm>> -> memref<16128xf32, #tpu.memory_space<hbm>>
      tpu.wait_dma2 semaphore(%run_scoped3A_29 : memref<!tpu.dma_semaphore, #tpu.memory_space<semaphore_mem>>) src(%dma_wait3A_39 : memref<16128xf32, #tpu.memory_space<hbm>>) dst(%arg12 : memref<16128xf32, #tpu.memory_space<vmem>>)
      tpu.yield
    }) : () -> ()
    %run_scoped3A_22 = arith.constant 3 : i32
    "tpu.region"() ({
      %run_scoped3A_29 = tpu.sem_alloc : memref<!tpu.dma_semaphore, #tpu.memory_space<semaphore_mem>>
      %dma_start3A = arith.constant 0 : i32
      %dma_start3A_30 = tpu.memref_slice %arg3[%select_n3A, %run_scoped3A_22, %dma_start3A] : memref<4x8x16128xf32, #tpu.memory_space<hbm>> -> memref<1x1x16128xf32, #tpu.memory_space<hbm>>
      %dma_start3A_31 = tpu.memref_squeeze %dma_start3A_30 : memref<1x1x16128xf32, #tpu.memory_space<hbm>> -> memref<16128xf32, #tpu.memory_space<hbm>>
      %dma_start3A_32 = arith.constant 0 : i32
      %dma_start3A_33 = tpu.memref_slice %arg3[%select_n3A, %run_scoped3A_22, %dma_start3A_32] : memref<4x8x16128xf32, #tpu.memory_space<hbm>> -> memref<1x1x16128xf32, #tpu.memory_space<hbm>>
      %dma_start3A_34 = tpu.memref_squeeze %dma_start3A_33 : memref<1x1x16128xf32, #tpu.memory_space<hbm>> -> memref<16128xf32, #tpu.memory_space<hbm>>
      tpu.enqueue_dma source(%dma_start3A_34 : memref<16128xf32, #tpu.memory_space<hbm>>) target(%arg13 : memref<16128xf32, #tpu.memory_space<vmem>>) target_semaphore(%run_scoped3A_29 : memref<!tpu.dma_semaphore, #tpu.memory_space<semaphore_mem>>)
      %dma_wait3A = arith.constant 0 : i32
      %dma_wait3A_35 = tpu.memref_slice %arg3[%select_n3A, %run_scoped3A_22, %dma_wait3A] : memref<4x8x16128xf32, #tpu.memory_space<hbm>> -> memref<1x1x16128xf32, #tpu.memory_space<hbm>>
      %dma_wait3A_36 = tpu.memref_squeeze %dma_wait3A_35 : memref<1x1x16128xf32, #tpu.memory_space<hbm>> -> memref<16128xf32, #tpu.memory_space<hbm>>
      %dma_wait3A_37 = arith.constant 0 : i32
      %dma_wait3A_38 = tpu.memref_slice %arg3[%select_n3A, %run_scoped3A_22, %dma_wait3A_37] : memref<4x8x16128xf32, #tpu.memory_space<hbm>> -> memref<1x1x16128xf32, #tpu.memory_space<hbm>>
      %dma_wait3A_39 = tpu.memref_squeeze %dma_wait3A_38 : memref<1x1x16128xf32, #tpu.memory_space<hbm>> -> memref<16128xf32, #tpu.memory_space<hbm>>
      tpu.wait_dma2 semaphore(%run_scoped3A_29 : memref<!tpu.dma_semaphore, #tpu.memory_space<semaphore_mem>>) src(%dma_wait3A_39 : memref<16128xf32, #tpu.memory_space<hbm>>) dst(%arg13 : memref<16128xf32, #tpu.memory_space<vmem>>)
      tpu.yield
    }) : () -> ()
    %scan3A = arith.constant 0 : i32
    %scan3A_23 = arith.constant 0 : i32
    %scan3A_24 = arith.constant 10 : i32
    %scan3A_25 = arith.addi %scan3A_23, %scan3A_24 : i32
    %scan3A_26 = arith.constant 1 : i32
    %scan3A_27 = scf.for %scan3A_29 = %scan3A_23 to %scan3A_25 step %scan3A_26 iter_args(%scan3A_30 = %scan3A) -> (i32)  : i32 {
      %mul3A_31 = arith.constant 80 : i32
      %mul3A_32 = arith.muli %select_n3A, %mul3A_31 : i32
      %jit3A_33 = arith.constant 8 : i32
      %eq3A = arith.constant 0 : i32
      %eq3A_34 = arith.cmpi eq, %jit3A_33, %eq3A : i32
      %jit3A_35 = arith.constant 1 : i32
      %select_n3A_36 = arith.select %eq3A_34, %jit3A_35, %jit3A_33 : i32
      %rem3A_37 = arith.remsi %add3A, %select_n3A_36 : i32
      %ne3A_38 = arith.constant 0 : i32
      %ne3A_39 = arith.cmpi ne, %rem3A_37, %ne3A_38 : i32
      %lt3A = arith.constant 0 : i32
      %lt3A_40 = arith.cmpi slt, %rem3A_37, %lt3A : i32
      %lt3A_41 = arith.constant 0 : i32
      %lt3A_42 = arith.cmpi slt, %select_n3A_36, %lt3A_41 : i32
      %ne3A_43 = arith.xori %lt3A_40, %lt3A_42 : i1
      %and3A_44 = arith.andi %ne3A_43, %ne3A_39 : i1
      %add3A_45 = arith.addi %rem3A_37, %select_n3A_36 : i32
      %select_n3A_46 = arith.select %and3A_44, %add3A_45, %rem3A_37 : i32
      %mul3A_47 = arith.constant 10 : i32
      %mul3A_48 = arith.muli %select_n3A_46, %mul3A_47 : i32
      %add3A_49 = arith.addi %mul3A_32, %mul3A_48 : i32
      %add3A_50 = arith.addi %add3A_49, %scan3A_29 : i32
      "tpu.region"() ({
        %run_scoped3A_74 = tpu.sem_alloc : memref<!tpu.dma_semaphore, #tpu.memory_space<semaphore_mem>>
        %dma_start3A = arith.constant 0 : i32
        %dma_start3A_75 = tpu.memref_slice %arg2[%add3A_50, %dma_start3A] : memref<320x16128xf32, #tpu.memory_space<hbm>> -> memref<1x16128xf32, #tpu.memory_space<hbm>>
        %dma_start3A_76 = tpu.memref_squeeze %dma_start3A_75 : memref<1x16128xf32, #tpu.memory_space<hbm>> -> memref<16128xf32, #tpu.memory_space<hbm>>
        %dma_start3A_77 = arith.constant 0 : i32
        %dma_start3A_78 = tpu.memref_slice %arg2[%add3A_50, %dma_start3A_77] : memref<320x16128xf32, #tpu.memory_space<hbm>> -> memref<1x16128xf32, #tpu.memory_space<hbm>>
        %dma_start3A_79 = tpu.memref_squeeze %dma_start3A_78 : memref<1x16128xf32, #tpu.memory_space<hbm>> -> memref<16128xf32, #tpu.memory_space<hbm>>
        tpu.enqueue_dma source(%dma_start3A_79 : memref<16128xf32, #tpu.memory_space<hbm>>) target(%arg9 : memref<16128xf32, #tpu.memory_space<vmem>>) target_semaphore(%run_scoped3A_74 : memref<!tpu.dma_semaphore, #tpu.memory_space<semaphore_mem>>)
        %dma_wait3A = arith.constant 0 : i32
        %dma_wait3A_80 = tpu.memref_slice %arg2[%add3A_50, %dma_wait3A] : memref<320x16128xf32, #tpu.memory_space<hbm>> -> memref<1x16128xf32, #tpu.memory_space<hbm>>
        %dma_wait3A_81 = tpu.memref_squeeze %dma_wait3A_80 : memref<1x16128xf32, #tpu.memory_space<hbm>> -> memref<16128xf32, #tpu.memory_space<hbm>>
        %dma_wait3A_82 = arith.constant 0 : i32
        %dma_wait3A_83 = tpu.memref_slice %arg2[%add3A_50, %dma_wait3A_82] : memref<320x16128xf32, #tpu.memory_space<hbm>> -> memref<1x16128xf32, #tpu.memory_space<hbm>>
        %dma_wait3A_84 = tpu.memref_squeeze %dma_wait3A_83 : memref<1x16128xf32, #tpu.memory_space<hbm>> -> memref<16128xf32, #tpu.memory_space<hbm>>
        tpu.wait_dma2 semaphore(%run_scoped3A_74 : memref<!tpu.dma_semaphore, #tpu.memory_space<semaphore_mem>>) src(%dma_wait3A_84 : memref<16128xf32, #tpu.memory_space<hbm>>) dst(%arg9 : memref<16128xf32, #tpu.memory_space<vmem>>)
        tpu.yield
      }) : () -> ()
      %scan3A_51 = arith.constant 0 : i32
      %scan3A_52 = arith.constant 0 : i32
      %scan3A_53 = arith.constant 129 : i32
      %scan3A_54 = arith.addi %scan3A_52, %scan3A_53 : i32
      %scan3A_55 = arith.constant 1 : i32
      %scan3A_56 = scf.for %scan3A_74 = %scan3A_52 to %scan3A_54 step %scan3A_55 iter_args(%scan3A_75 = %scan3A_51) -> (i32)  : i32 {
        %mul3A_76 = arith.constant 16 : i32
        %mul3A_77 = arith.muli %scan3A_74, %mul3A_76 : i32
        %swap3A = arith.index_cast %mul3A_77 : i32 to index
        %swap3A_78 = tpu.vector_load %arg14[%swap3A] {strides = array<i32>} : memref<2064xf32, #tpu.memory_space<vmem>>, vector<16xf32>,
        tpu.vector_store %arg14[%swap3A], %broadcast_in_dim3A_1 {strides = array<i32>} : memref<2064xf32, #tpu.memory_space<vmem>>, vector<16xf32>,
        %mul3A_79 = arith.constant 16 : i32
        %mul3A_80 = arith.muli %scan3A_74, %mul3A_79 : i32
        %swap3A_81 = arith.index_cast %mul3A_80 : i32 to index
        %swap3A_82 = tpu.vector_load %arg15[%swap3A_81] {strides = array<i32>} : memref<2064xi32, #tpu.memory_space<vmem>>, vector<16xi32>,
        tpu.vector_store %arg15[%swap3A_81], %broadcast_in_dim3A_3 {strides = array<i32>} : memref<2064xi32, #tpu.memory_space<vmem>>, vector<16xi32>,
        %scan3A_83 = arith.constant 0 : i32
        scf.yield %scan3A_83 : i32
      }
      %scan3A_57 = arith.constant 129 : i32
      %broadcast_in_dim3A_58 = arith.constant 0 : i32
      %broadcast_in_dim3A_59 = vector.broadcast %broadcast_in_dim3A_58 : i32 to vector<16xi32>
      %scan3A_60 = arith.constant 0 : i32
      %scan3A_61 = arith.constant 504 : i32
      %scan3A_62 = arith.addi %scan3A_60, %scan3A_61 : i32
      %scan3A_63 = arith.constant 1 : i32
      %scan3A_64:2 = scf.for %scan3A_74 = %scan3A_60 to %scan3A_62 step %scan3A_63 iter_args(%scan3A_75 = %broadcast_in_dim3A_59, %scan3A_76 = %iota3A) -> (vector<16xi32>, vector<16xi32>)  : i32 {
        %mul3A_77 = arith.constant 2 : i32
        %mul3A_78 = arith.muli %scan3A_74, %mul3A_77 : i32
        %add3A_79 = arith.constant 0 : i32
        %add3A_80 = arith.addi %mul3A_78, %add3A_79 : i32
        %mul3A_81 = arith.constant 16 : i32
        %mul3A_82 = arith.muli %add3A_80, %mul3A_81 : i32
        %get3A = arith.index_cast %mul3A_82 : i32 to index
        %get3A_83 = tpu.vector_load %arg9[%get3A] {strides = array<i32>} : memref<16128xf32, #tpu.memory_space<vmem>>, vector<16xf32>,
        %gt3A = arith.constant 0.000000e+00 : f32
        %gt3A_84 = vector.broadcast %gt3A : f32 to vector<16xf32>
        %gt3A_85 = arith.cmpf ogt, %get3A_83, %gt3A_84 : vector<16xf32>
        %convert_element_type3A = arith.extui %gt3A_85 : vector<16xi1> to vector<16xi32>
        %broadcast_in_dim3A_86 = arith.constant true
        %broadcast_in_dim3A_87 = vector.broadcast %broadcast_in_dim3A_86 : i1 to vector<16xi1>
        %masked_cumsum3A = tpu.scan <sum>, %convert_element_type3A masked %broadcast_in_dim3A_87 : vector<16xi32>, vector<16xi1> -> vector<16xi32>
        %add3A_88 = arith.addi %scan3A_75, %masked_cumsum3A : vector<16xi32>
        %sub3A_89 = arith.constant 1 : i32
        %sub3A_90 = vector.broadcast %sub3A_89 : i32 to vector<16xi32>
        %sub3A_91 = arith.subi %add3A_88, %sub3A_90 : vector<16xi32>
        %add3A_92 = arith.constant 2048 : i32
        %add3A_93 = vector.broadcast %add3A_92 : i32 to vector<16xi32>
        %add3A_94 = arith.addi %add3A_93, %iota3A : vector<16xi32>
        %select_n3A_95 = arith.select %gt3A_85, %sub3A_91, %add3A_94 : vector<16xi1>, vector<16xi32>
        tpu.vector_store_idx %arg14[%select_n3A_95], %get3A_83 : memref<2064xf32, #tpu.memory_space<vmem>>[vector<16xi32>], vector<16xf32>,
        tpu.vector_store_idx %arg15[%select_n3A_95], %scan3A_76 : memref<2064xi32, #tpu.memory_space<vmem>>[vector<16xi32>], vector<16xi32>,
        %all_reduce_population_count3A = tpu.all_reduce %gt3A_85 {dim = 0 : i64, kind = #tpu.reduction_kind<sum>} : vector<16xi1> -> vector<16xi32>
        %add3A_96 = arith.addi %scan3A_75, %all_reduce_population_count3A : vector<16xi32>
        %add3A_97 = arith.constant 16 : i32
        %add3A_98 = vector.broadcast %add3A_97 : i32 to vector<16xi32>
        %add3A_99 = arith.addi %scan3A_76, %add3A_98 : vector<16xi32>
        %mul3A_100 = arith.constant 2 : i32
        %mul3A_101 = arith.muli %scan3A_74, %mul3A_100 : i32
        %add3A_102 = arith.constant 1 : i32
        %add3A_103 = arith.addi %mul3A_101, %add3A_102 : i32
        %mul3A_104 = arith.constant 16 : i32
        %mul3A_105 = arith.muli %add3A_103, %mul3A_104 : i32
        %get3A_106 = arith.index_cast %mul3A_105 : i32 to index
        %get3A_107 = tpu.vector_load %arg9[%get3A_106] {strides = array<i32>} : memref<16128xf32, #tpu.memory_space<vmem>>, vector<16xf32>,
        %gt3A_108 = arith.constant 0.000000e+00 : f32
        %gt3A_109 = vector.broadcast %gt3A_108 : f32 to vector<16xf32>
        %gt3A_110 = arith.cmpf ogt, %get3A_107, %gt3A_109 : vector<16xf32>
        %convert_element_type3A_111 = arith.extui %gt3A_110 : vector<16xi1> to vector<16xi32>
        %broadcast_in_dim3A_112 = arith.constant true
        %broadcast_in_dim3A_113 = vector.broadcast %broadcast_in_dim3A_112 : i1 to vector<16xi1>
        %masked_cumsum3A_114 = tpu.scan <sum>, %convert_element_type3A_111 masked %broadcast_in_dim3A_113 : vector<16xi32>, vector<16xi1> -> vector<16xi32>
        %add3A_115 = arith.addi %add3A_96, %masked_cumsum3A_114 : vector<16xi32>
        %sub3A_116 = arith.constant 1 : i32
        %sub3A_117 = vector.broadcast %sub3A_116 : i32 to vector<16xi32>
        %sub3A_118 = arith.subi %add3A_115, %sub3A_117 : vector<16xi32>
        %add3A_119 = arith.constant 2048 : i32
        %add3A_120 = vector.broadcast %add3A_119 : i32 to vector<16xi32>
        %add3A_121 = arith.addi %add3A_120, %iota3A : vector<16xi32>
        %select_n3A_122 = arith.select %gt3A_110, %sub3A_118, %add3A_121 : vector<16xi1>, vector<16xi32>
        tpu.vector_store_idx %arg14[%select_n3A_122], %get3A_107 : memref<2064xf32, #tpu.memory_space<vmem>>[vector<16xi32>], vector<16xf32>,
        tpu.vector_store_idx %arg15[%select_n3A_122], %add3A_99 : memref<2064xi32, #tpu.memory_space<vmem>>[vector<16xi32>], vector<16xi32>,
        %all_reduce_population_count3A_123 = tpu.all_reduce %gt3A_110 {dim = 0 : i64, kind = #tpu.reduction_kind<sum>} : vector<16xi1> -> vector<16xi32>
        %add3A_124 = arith.addi %add3A_96, %all_reduce_population_count3A_123 : vector<16xi32>
        %add3A_125 = arith.constant 16 : i32
        %add3A_126 = vector.broadcast %add3A_125 : i32 to vector<16xi32>
        %add3A_127 = arith.addi %add3A_99, %add3A_126 : vector<16xi32>
        scf.yield %add3A_124, %add3A_127 : vector<16xi32>, vector<16xi32>
      }
      %scan3A_65 = arith.constant 504 : i32
      %scan3A_66 = arith.constant 0 : i32
      %scan3A_67 = arith.constant 0 : i32
      %scan3A_68 = arith.constant 128 : i32
      %scan3A_69 = arith.addi %scan3A_67, %scan3A_68 : i32
      %scan3A_70 = arith.constant 1 : i32
      %scan3A_71 = scf.for %scan3A_74 = %scan3A_67 to %scan3A_69 step %scan3A_70 iter_args(%scan3A_75 = %scan3A_66) -> (i32)  : i32 {
        %mul3A_76 = arith.constant 16 : i32
        %mul3A_77 = arith.muli %scan3A_74, %mul3A_76 : i32
        %get3A = arith.index_cast %mul3A_77 : i32 to index
        %get3A_78 = tpu.vector_load %arg15[%get3A] {strides = array<i32>} : memref<2064xi32, #tpu.memory_space<vmem>>, vector<16xi32>,
        %gather3A = tpu.vector_load_idx %arg10[%get3A_78] : memref<16128xf32, #tpu.memory_space<vmem>>[vector<16xi32>], vector<16xf32>,
        %mul3A_79 = arith.constant 16 : i32
        %mul3A_80 = arith.muli %scan3A_74, %mul3A_79 : i32
        %swap3A = arith.index_cast %mul3A_80 : i32 to index
        %swap3A_81 = tpu.vector_load %arg16[%swap3A] {strides = array<i32>} : memref<2048xf32, #tpu.memory_space<vmem>>, vector<16xf32>,
        tpu.vector_store %arg16[%swap3A], %gather3A {strides = array<i32>} : memref<2048xf32, #tpu.memory_space<vmem>>, vector<16xf32>,
        %gather3A_82 = tpu.vector_load_idx %arg11[%get3A_78] : memref<16128xf32, #tpu.memory_space<vmem>>[vector<16xi32>], vector<16xf32>,
        %mul3A_83 = arith.constant 16 : i32
        %mul3A_84 = arith.muli %scan3A_74, %mul3A_83 : i32
        %swap3A_85 = arith.index_cast %mul3A_84 : i32 to index
        %swap3A_86 = tpu.vector_load %arg17[%swap3A_85] {strides = array<i32>} : memref<2048xf32, #tpu.memory_space<vmem>>, vector<16xf32>,
        tpu.vector_store %arg17[%swap3A_85], %gather3A_82 {strides = array<i32>} : memref<2048xf32, #tpu.memory_space<vmem>>, vector<16xf32>,
        %gather3A_87 = tpu.vector_load_idx %arg12[%get3A_78] : memref<16128xf32, #tpu.memory_space<vmem>>[vector<16xi32>], vector<16xf32>,
        %mul3A_88 = arith.constant 16 : i32
        %mul3A_89 = arith.muli %scan3A_74, %mul3A_88 : i32
        %swap3A_90 = arith.index_cast %mul3A_89 : i32 to index
        %swap3A_91 = tpu.vector_load %arg18[%swap3A_90] {strides = array<i32>} : memref<2048xf32, #tpu.memory_space<vmem>>, vector<16xf32>,
        tpu.vector_store %arg18[%swap3A_90], %gather3A_87 {strides = array<i32>} : memref<2048xf32, #tpu.memory_space<vmem>>, vector<16xf32>,
        %gather3A_92 = tpu.vector_load_idx %arg13[%get3A_78] : memref<16128xf32, #tpu.memory_space<vmem>>[vector<16xi32>], vector<16xf32>,
        %mul3A_93 = arith.constant 16 : i32
        %mul3A_94 = arith.muli %scan3A_74, %mul3A_93 : i32
        %swap3A_95 = arith.index_cast %mul3A_94 : i32 to index
        %swap3A_96 = tpu.vector_load %arg19[%swap3A_95] {strides = array<i32>} : memref<2048xf32, #tpu.memory_space<vmem>>, vector<16xf32>,
        tpu.vector_store %arg19[%swap3A_95], %gather3A_92 {strides = array<i32>} : memref<2048xf32, #tpu.memory_space<vmem>>, vector<16xf32>,
        %scan3A_97 = arith.constant 0 : i32
        scf.yield %scan3A_97 : i32
      }
      %scan3A_72 = arith.constant 128 : i32
      "tpu.region"() ({
        %run_scoped3A_74 = tpu.sem_alloc : memref<!tpu.dma_semaphore, #tpu.memory_space<semaphore_mem>>
        %dma_start3A = arith.constant 0 : i32
        %dma_start3A_75 = tpu.memref_slice %arg14[%dma_start3A] : memref<2064xf32, #tpu.memory_space<vmem>> -> memref<2048xf32, #tpu.memory_space<vmem>>
        %dma_start3A_76 = arith.constant 0 : i32
        %dma_start3A_77 = tpu.memref_slice %arg4[%add3A_50, %dma_start3A_76] : memref<320x2048xf32, #tpu.memory_space<hbm>> -> memref<1x2048xf32, #tpu.memory_space<hbm>>
        %dma_start3A_78 = tpu.memref_squeeze %dma_start3A_77 : memref<1x2048xf32, #tpu.memory_space<hbm>> -> memref<2048xf32, #tpu.memory_space<hbm>>
        %dma_start3A_79 = arith.constant 0 : i32
        %dma_start3A_80 = tpu.memref_slice %arg4[%add3A_50, %dma_start3A_79] : memref<320x2048xf32, #tpu.memory_space<hbm>> -> memref<1x2048xf32, #tpu.memory_space<hbm>>
        %dma_start3A_81 = tpu.memref_squeeze %dma_start3A_80 : memref<1x2048xf32, #tpu.memory_space<hbm>> -> memref<2048xf32, #tpu.memory_space<hbm>>
        %dma_start3A_82 = arith.constant 0 : i32
        %dma_start3A_83 = tpu.memref_slice %arg14[%dma_start3A_82] : memref<2064xf32, #tpu.memory_space<vmem>> -> memref<2048xf32, #tpu.memory_space<vmem>>
        tpu.enqueue_dma source(%dma_start3A_83 : memref<2048xf32, #tpu.memory_space<vmem>>) target(%dma_start3A_81 : memref<2048xf32, #tpu.memory_space<hbm>>) target_semaphore(%run_scoped3A_74 : memref<!tpu.dma_semaphore, #tpu.memory_space<semaphore_mem>>)
        %dma_wait3A = arith.constant 0 : i32
        %dma_wait3A_84 = tpu.memref_slice %arg14[%dma_wait3A] : memref<2064xf32, #tpu.memory_space<vmem>> -> memref<2048xf32, #tpu.memory_space<vmem>>
        %dma_wait3A_85 = arith.constant 0 : i32
        %dma_wait3A_86 = tpu.memref_slice %arg4[%add3A_50, %dma_wait3A_85] : memref<320x2048xf32, #tpu.memory_space<hbm>> -> memref<1x2048xf32, #tpu.memory_space<hbm>>
        %dma_wait3A_87 = tpu.memref_squeeze %dma_wait3A_86 : memref<1x2048xf32, #tpu.memory_space<hbm>> -> memref<2048xf32, #tpu.memory_space<hbm>>
        %dma_wait3A_88 = arith.constant 0 : i32
        %dma_wait3A_89 = tpu.memref_slice %arg4[%add3A_50, %dma_wait3A_88] : memref<320x2048xf32, #tpu.memory_space<hbm>> -> memref<1x2048xf32, #tpu.memory_space<hbm>>
        %dma_wait3A_90 = tpu.memref_squeeze %dma_wait3A_89 : memref<1x2048xf32, #tpu.memory_space<hbm>> -> memref<2048xf32, #tpu.memory_space<hbm>>
        %dma_wait3A_91 = arith.constant 0 : i32
        %dma_wait3A_92 = tpu.memref_slice %arg14[%dma_wait3A_91] : memref<2064xf32, #tpu.memory_space<vmem>> -> memref<2048xf32, #tpu.memory_space<vmem>>
        tpu.wait_dma2 semaphore(%run_scoped3A_74 : memref<!tpu.dma_semaphore, #tpu.memory_space<semaphore_mem>>) src(%dma_wait3A_92 : memref<2048xf32, #tpu.memory_space<vmem>>) dst(%dma_wait3A_90 : memref<2048xf32, #tpu.memory_space<hbm>>)
        tpu.yield
      }) : () -> ()
      "tpu.region"() ({
        %run_scoped3A_74 = tpu.sem_alloc : memref<!tpu.dma_semaphore, #tpu.memory_space<semaphore_mem>>
        %dma_start3A = arith.constant 0 : i32
        %dma_start3A_75 = tpu.memref_slice %arg16[%dma_start3A] : memref<2048xf32, #tpu.memory_space<vmem>> -> memref<2048xf32, #tpu.memory_space<vmem>>
        %dma_start3A_76 = arith.constant 0 : i32
        %dma_start3A_77 = tpu.memref_slice %arg5[%add3A_50, %dma_start3A_76] : memref<320x2048xf32, #tpu.memory_space<hbm>> -> memref<1x2048xf32, #tpu.memory_space<hbm>>
        %dma_start3A_78 = tpu.memref_squeeze %dma_start3A_77 : memref<1x2048xf32, #tpu.memory_space<hbm>> -> memref<2048xf32, #tpu.memory_space<hbm>>
        %dma_start3A_79 = arith.constant 0 : i32
        %dma_start3A_80 = tpu.memref_slice %arg5[%add3A_50, %dma_start3A_79] : memref<320x2048xf32, #tpu.memory_space<hbm>> -> memref<1x2048xf32, #tpu.memory_space<hbm>>
        %dma_start3A_81 = tpu.memref_squeeze %dma_start3A_80 : memref<1x2048xf32, #tpu.memory_space<hbm>> -> memref<2048xf32, #tpu.memory_space<hbm>>
        %dma_start3A_82 = arith.constant 0 : i32
        %dma_start3A_83 = tpu.memref_slice %arg16[%dma_start3A_82] : memref<2048xf32, #tpu.memory_space<vmem>> -> memref<2048xf32, #tpu.memory_space<vmem>>
        tpu.enqueue_dma source(%dma_start3A_83 : memref<2048xf32, #tpu.memory_space<vmem>>) target(%dma_start3A_81 : memref<2048xf32, #tpu.memory_space<hbm>>) target_semaphore(%run_scoped3A_74 : memref<!tpu.dma_semaphore, #tpu.memory_space<semaphore_mem>>)
        %dma_wait3A = arith.constant 0 : i32
        %dma_wait3A_84 = tpu.memref_slice %arg16[%dma_wait3A] : memref<2048xf32, #tpu.memory_space<vmem>> -> memref<2048xf32, #tpu.memory_space<vmem>>
        %dma_wait3A_85 = arith.constant 0 : i32
        %dma_wait3A_86 = tpu.memref_slice %arg5[%add3A_50, %dma_wait3A_85] : memref<320x2048xf32, #tpu.memory_space<hbm>> -> memref<1x2048xf32, #tpu.memory_space<hbm>>
        %dma_wait3A_87 = tpu.memref_squeeze %dma_wait3A_86 : memref<1x2048xf32, #tpu.memory_space<hbm>> -> memref<2048xf32, #tpu.memory_space<hbm>>
        %dma_wait3A_88 = arith.constant 0 : i32
        %dma_wait3A_89 = tpu.memref_slice %arg5[%add3A_50, %dma_wait3A_88] : memref<320x2048xf32, #tpu.memory_space<hbm>> -> memref<1x2048xf32, #tpu.memory_space<hbm>>
        %dma_wait3A_90 = tpu.memref_squeeze %dma_wait3A_89 : memref<1x2048xf32, #tpu.memory_space<hbm>> -> memref<2048xf32, #tpu.memory_space<hbm>>
        %dma_wait3A_91 = arith.constant 0 : i32
        %dma_wait3A_92 = tpu.memref_slice %arg16[%dma_wait3A_91] : memref<2048xf32, #tpu.memory_space<vmem>> -> memref<2048xf32, #tpu.memory_space<vmem>>
        tpu.wait_dma2 semaphore(%run_scoped3A_74 : memref<!tpu.dma_semaphore, #tpu.memory_space<semaphore_mem>>) src(%dma_wait3A_92 : memref<2048xf32, #tpu.memory_space<vmem>>) dst(%dma_wait3A_90 : memref<2048xf32, #tpu.memory_space<hbm>>)
        tpu.yield
      }) : () -> ()
      "tpu.region"() ({
        %run_scoped3A_74 = tpu.sem_alloc : memref<!tpu.dma_semaphore, #tpu.memory_space<semaphore_mem>>
        %dma_start3A = arith.constant 0 : i32
        %dma_start3A_75 = tpu.memref_slice %arg17[%dma_start3A] : memref<2048xf32, #tpu.memory_space<vmem>> -> memref<2048xf32, #tpu.memory_space<vmem>>
        %dma_start3A_76 = arith.constant 0 : i32
        %dma_start3A_77 = tpu.memref_slice %arg6[%add3A_50, %dma_start3A_76] : memref<320x2048xf32, #tpu.memory_space<hbm>> -> memref<1x2048xf32, #tpu.memory_space<hbm>>
        %dma_start3A_78 = tpu.memref_squeeze %dma_start3A_77 : memref<1x2048xf32, #tpu.memory_space<hbm>> -> memref<2048xf32, #tpu.memory_space<hbm>>
        %dma_start3A_79 = arith.constant 0 : i32
        %dma_start3A_80 = tpu.memref_slice %arg6[%add3A_50, %dma_start3A_79] : memref<320x2048xf32, #tpu.memory_space<hbm>> -> memref<1x2048xf32, #tpu.memory_space<hbm>>
        %dma_start3A_81 = tpu.memref_squeeze %dma_start3A_80 : memref<1x2048xf32, #tpu.memory_space<hbm>> -> memref<2048xf32, #tpu.memory_space<hbm>>
        %dma_start3A_82 = arith.constant 0 : i32
        %dma_start3A_83 = tpu.memref_slice %arg17[%dma_start3A_82] : memref<2048xf32, #tpu.memory_space<vmem>> -> memref<2048xf32, #tpu.memory_space<vmem>>
        tpu.enqueue_dma source(%dma_start3A_83 : memref<2048xf32, #tpu.memory_space<vmem>>) target(%dma_start3A_81 : memref<2048xf32, #tpu.memory_space<hbm>>) target_semaphore(%run_scoped3A_74 : memref<!tpu.dma_semaphore, #tpu.memory_space<semaphore_mem>>)
        %dma_wait3A = arith.constant 0 : i32
        %dma_wait3A_84 = tpu.memref_slice %arg17[%dma_wait3A] : memref<2048xf32, #tpu.memory_space<vmem>> -> memref<2048xf32, #tpu.memory_space<vmem>>
        %dma_wait3A_85 = arith.constant 0 : i32
        %dma_wait3A_86 = tpu.memref_slice %arg6[%add3A_50, %dma_wait3A_85] : memref<320x2048xf32, #tpu.memory_space<hbm>> -> memref<1x2048xf32, #tpu.memory_space<hbm>>
        %dma_wait3A_87 = tpu.memref_squeeze %dma_wait3A_86 : memref<1x2048xf32, #tpu.memory_space<hbm>> -> memref<2048xf32, #tpu.memory_space<hbm>>
        %dma_wait3A_88 = arith.constant 0 : i32
        %dma_wait3A_89 = tpu.memref_slice %arg6[%add3A_50, %dma_wait3A_88] : memref<320x2048xf32, #tpu.memory_space<hbm>> -> memref<1x2048xf32, #tpu.memory_space<hbm>>
        %dma_wait3A_90 = tpu.memref_squeeze %dma_wait3A_89 : memref<1x2048xf32, #tpu.memory_space<hbm>> -> memref<2048xf32, #tpu.memory_space<hbm>>
        %dma_wait3A_91 = arith.constant 0 : i32
        %dma_wait3A_92 = tpu.memref_slice %arg17[%dma_wait3A_91] : memref<2048xf32, #tpu.memory_space<vmem>> -> memref<2048xf32, #tpu.memory_space<vmem>>
        tpu.wait_dma2 semaphore(%run_scoped3A_74 : memref<!tpu.dma_semaphore, #tpu.memory_space<semaphore_mem>>) src(%dma_wait3A_92 : memref<2048xf32, #tpu.memory_space<vmem>>) dst(%dma_wait3A_90 : memref<2048xf32, #tpu.memory_space<hbm>>)
        tpu.yield
      }) : () -> ()
      "tpu.region"() ({
        %run_scoped3A_74 = tpu.sem_alloc : memref<!tpu.dma_semaphore, #tpu.memory_space<semaphore_mem>>
        %dma_start3A = arith.constant 0 : i32
        %dma_start3A_75 = tpu.memref_slice %arg18[%dma_start3A] : memref<2048xf32, #tpu.memory_space<vmem>> -> memref<2048xf32, #tpu.memory_space<vmem>>
        %dma_start3A_76 = arith.constant 0 : i32
        %dma_start3A_77 = tpu.memref_slice %arg7[%add3A_50, %dma_start3A_76] : memref<320x2048xf32, #tpu.memory_space<hbm>> -> memref<1x2048xf32, #tpu.memory_space<hbm>>
        %dma_start3A_78 = tpu.memref_squeeze %dma_start3A_77 : memref<1x2048xf32, #tpu.memory_space<hbm>> -> memref<2048xf32, #tpu.memory_space<hbm>>
        %dma_start3A_79 = arith.constant 0 : i32
        %dma_start3A_80 = tpu.memref_slice %arg7[%add3A_50, %dma_start3A_79] : memref<320x2048xf32, #tpu.memory_space<hbm>> -> memref<1x2048xf32, #tpu.memory_space<hbm>>
        %dma_start3A_81 = tpu.memref_squeeze %dma_start3A_80 : memref<1x2048xf32, #tpu.memory_space<hbm>> -> memref<2048xf32, #tpu.memory_space<hbm>>
        %dma_start3A_82 = arith.constant 0 : i32
        %dma_start3A_83 = tpu.memref_slice %arg18[%dma_start3A_82] : memref<2048xf32, #tpu.memory_space<vmem>> -> memref<2048xf32, #tpu.memory_space<vmem>>
        tpu.enqueue_dma source(%dma_start3A_83 : memref<2048xf32, #tpu.memory_space<vmem>>) target(%dma_start3A_81 : memref<2048xf32, #tpu.memory_space<hbm>>) target_semaphore(%run_scoped3A_74 : memref<!tpu.dma_semaphore, #tpu.memory_space<semaphore_mem>>)
        %dma_wait3A = arith.constant 0 : i32
        %dma_wait3A_84 = tpu.memref_slice %arg18[%dma_wait3A] : memref<2048xf32, #tpu.memory_space<vmem>> -> memref<2048xf32, #tpu.memory_space<vmem>>
        %dma_wait3A_85 = arith.constant 0 : i32
        %dma_wait3A_86 = tpu.memref_slice %arg7[%add3A_50, %dma_wait3A_85] : memref<320x2048xf32, #tpu.memory_space<hbm>> -> memref<1x2048xf32, #tpu.memory_space<hbm>>
        %dma_wait3A_87 = tpu.memref_squeeze %dma_wait3A_86 : memref<1x2048xf32, #tpu.memory_space<hbm>> -> memref<2048xf32, #tpu.memory_space<hbm>>
        %dma_wait3A_88 = arith.constant 0 : i32
        %dma_wait3A_89 = tpu.memref_slice %arg7[%add3A_50, %dma_wait3A_88] : memref<320x2048xf32, #tpu.memory_space<hbm>> -> memref<1x2048xf32, #tpu.memory_space<hbm>>
        %dma_wait3A_90 = tpu.memref_squeeze %dma_wait3A_89 : memref<1x2048xf32, #tpu.memory_space<hbm>> -> memref<2048xf32, #tpu.memory_space<hbm>>
        %dma_wait3A_91 = arith.constant 0 : i32
        %dma_wait3A_92 = tpu.memref_slice %arg18[%dma_wait3A_91] : memref<2048xf32, #tpu.memory_space<vmem>> -> memref<2048xf32, #tpu.memory_space<vmem>>
        tpu.wait_dma2 semaphore(%run_scoped3A_74 : memref<!tpu.dma_semaphore, #tpu.memory_space<semaphore_mem>>) src(%dma_wait3A_92 : memref<2048xf32, #tpu.memory_space<vmem>>) dst(%dma_wait3A_90 : memref<2048xf32, #tpu.memory_space<hbm>>)
        tpu.yield
      }) : () -> ()
      "tpu.region"() ({
        %run_scoped3A_74 = tpu.sem_alloc : memref<!tpu.dma_semaphore, #tpu.memory_space<semaphore_mem>>
        %dma_start3A = arith.constant 0 : i32
        %dma_start3A_75 = tpu.memref_slice %arg19[%dma_start3A] : memref<2048xf32, #tpu.memory_space<vmem>> -> memref<2048xf32, #tpu.memory_space<vmem>>
        %dma_start3A_76 = arith.constant 0 : i32
        %dma_start3A_77 = tpu.memref_slice %arg8[%add3A_50, %dma_start3A_76] : memref<320x2048xf32, #tpu.memory_space<hbm>> -> memref<1x2048xf32, #tpu.memory_space<hbm>>
        %dma_start3A_78 = tpu.memref_squeeze %dma_start3A_77 : memref<1x2048xf32, #tpu.memory_space<hbm>> -> memref<2048xf32, #tpu.memory_space<hbm>>
        %dma_start3A_79 = arith.constant 0 : i32
        %dma_start3A_80 = tpu.memref_slice %arg8[%add3A_50, %dma_start3A_79] : memref<320x2048xf32, #tpu.memory_space<hbm>> -> memref<1x2048xf32, #tpu.memory_space<hbm>>
        %dma_start3A_81 = tpu.memref_squeeze %dma_start3A_80 : memref<1x2048xf32, #tpu.memory_space<hbm>> -> memref<2048xf32, #tpu.memory_space<hbm>>
        %dma_start3A_82 = arith.constant 0 : i32
        %dma_start3A_83 = tpu.memref_slice %arg19[%dma_start3A_82] : memref<2048xf32, #tpu.memory_space<vmem>> -> memref<2048xf32, #tpu.memory_space<vmem>>
        tpu.enqueue_dma source(%dma_start3A_83 : memref<2048xf32, #tpu.memory_space<vmem>>) target(%dma_start3A_81 : memref<2048xf32, #tpu.memory_space<hbm>>) target_semaphore(%run_scoped3A_74 : memref<!tpu.dma_semaphore, #tpu.memory_space<semaphore_mem>>)
        %dma_wait3A = arith.constant 0 : i32
        %dma_wait3A_84 = tpu.memref_slice %arg19[%dma_wait3A] : memref<2048xf32, #tpu.memory_space<vmem>> -> memref<2048xf32, #tpu.memory_space<vmem>>
        %dma_wait3A_85 = arith.constant 0 : i32
        %dma_wait3A_86 = tpu.memref_slice %arg8[%add3A_50, %dma_wait3A_85] : memref<320x2048xf32, #tpu.memory_space<hbm>> -> memref<1x2048xf32, #tpu.memory_space<hbm>>
        %dma_wait3A_87 = tpu.memref_squeeze %dma_wait3A_86 : memref<1x2048xf32, #tpu.memory_space<hbm>> -> memref<2048xf32, #tpu.memory_space<hbm>>
        %dma_wait3A_88 = arith.constant 0 : i32
        %dma_wait3A_89 = tpu.memref_slice %arg8[%add3A_50, %dma_wait3A_88] : memref<320x2048xf32, #tpu.memory_space<hbm>> -> memref<1x2048xf32, #tpu.memory_space<hbm>>
        %dma_wait3A_90 = tpu.memref_squeeze %dma_wait3A_89 : memref<1x2048xf32, #tpu.memory_space<hbm>> -> memref<2048xf32, #tpu.memory_space<hbm>>
        %dma_wait3A_91 = arith.constant 0 : i32
        %dma_wait3A_92 = tpu.memref_slice %arg19[%dma_wait3A_91] : memref<2048xf32, #tpu.memory_space<vmem>> -> memref<2048xf32, #tpu.memory_space<vmem>>
        tpu.wait_dma2 semaphore(%run_scoped3A_74 : memref<!tpu.dma_semaphore, #tpu.memory_space<semaphore_mem>>) src(%dma_wait3A_92 : memref<2048xf32, #tpu.memory_space<vmem>>) dst(%dma_wait3A_90 : memref<2048xf32, #tpu.memory_space<hbm>>)
        tpu.yield
      }) : () -> ()
      %scan3A_73 = arith.constant 0 : i32
      scf.yield %scan3A_73 : i32
    }
    %scan3A_28 = arith.constant 10 : i32
    return
  }
}

module attributes {stable_mosaic.version = 14 : i64} {
  func.func @_decode_kernel(%arg0: i32, %arg1: memref<1x8x16128xf32, #tpu.memory_space<vmem>>, %arg2: memref<8x16128xf32, #tpu.memory_space<vmem>>, %arg3: memref<1x80x16128xf32, #tpu.memory_space<vmem>>, %arg4: memref<1x80x16128xf32, #tpu.memory_space<vmem>>, %arg5: memref<1x8x16128xf32, #tpu.memory_space<vmem>>) attributes {dimension_semantics = [#tpu.dimension_semantics<arbitrary>], iteration_bounds = array<i64: 4>, scalar_prefetch = 0 : i64, scratch_operands = 0 : i64, tpu.core_type = #tpu.core_type<tc>, window_params = [{transform_indices = @transform_0, window_bounds = array<i64: 1, 8, 16128>}, {pipeline_mode = #tpu.pipeline_mode<synchronous>, transform_indices = @transform_1, window_bounds = array<i64: 8, 16128>}, {transform_indices = @transform_2, window_bounds = array<i64: 1, 80, 16128>}, {transform_indices = @transform_3, window_bounds = array<i64: 1, 80, 16128>}, {transform_indices = @transform_4, window_bounds = array<i64: 1, 8, 16128>}]} {
    %get3A = arith.constant 0 : index
    %get3A_0 = arith.constant 0 : index
    %get3A_1 = arith.constant 0 : index
    %get3A_2 = vector.load %arg1[%get3A, %get3A_0, %get3A_1] : memref<1x8x16128xf32, #tpu.memory_space<vmem>>, vector<1x1x16128xf32>
    %get3A_3 = vector.shape_cast %get3A_2 : vector<1x1x16128xf32> to vector<1x16128xf32>
    %get3A_4 = arith.constant 0 : index
    %get3A_5 = arith.constant 1 : index
    %get3A_6 = arith.constant 0 : index
    %get3A_7 = vector.load %arg1[%get3A_4, %get3A_5, %get3A_6] : memref<1x8x16128xf32, #tpu.memory_space<vmem>>, vector<1x1x16128xf32>
    %get3A_8 = vector.shape_cast %get3A_7 : vector<1x1x16128xf32> to vector<1x16128xf32>
    %get3A_9 = arith.constant 0 : index
    %get3A_10 = arith.constant 2 : index
    %get3A_11 = arith.constant 0 : index
    %get3A_12 = vector.load %arg1[%get3A_9, %get3A_10, %get3A_11] : memref<1x8x16128xf32, #tpu.memory_space<vmem>>, vector<1x1x16128xf32>
    %get3A_13 = vector.shape_cast %get3A_12 : vector<1x1x16128xf32> to vector<1x16128xf32>
    %get3A_14 = arith.constant 0 : index
    %get3A_15 = arith.constant 3 : index
    %get3A_16 = arith.constant 0 : index
    %get3A_17 = vector.load %arg1[%get3A_14, %get3A_15, %get3A_16] : memref<1x8x16128xf32, #tpu.memory_space<vmem>>, vector<1x1x16128xf32>
    %get3A_18 = vector.shape_cast %get3A_17 : vector<1x1x16128xf32> to vector<1x16128xf32>
    %get3A_19 = arith.constant 0 : index
    %get3A_20 = arith.constant 4 : index
    %get3A_21 = arith.constant 0 : index
    %get3A_22 = vector.load %arg1[%get3A_19, %get3A_20, %get3A_21] : memref<1x8x16128xf32, #tpu.memory_space<vmem>>, vector<1x1x16128xf32>
    %get3A_23 = vector.shape_cast %get3A_22 : vector<1x1x16128xf32> to vector<1x16128xf32>
    %get3A_24 = arith.constant 0 : index
    %get3A_25 = arith.constant 0 : index
    %get3A_26 = vector.load %arg2[%get3A_24, %get3A_25] : memref<8x16128xf32, #tpu.memory_space<vmem>>, vector<1x16128xf32>
    %get3A_27 = arith.constant 1 : index
    %get3A_28 = arith.constant 0 : index
    %get3A_29 = vector.load %arg2[%get3A_27, %get3A_28] : memref<8x16128xf32, #tpu.memory_space<vmem>>, vector<1x16128xf32>
    %get3A_30 = arith.constant 2 : index
    %get3A_31 = arith.constant 0 : index
    %get3A_32 = vector.load %arg2[%get3A_30, %get3A_31] : memref<8x16128xf32, #tpu.memory_space<vmem>>, vector<1x16128xf32>
    %get3A_33 = arith.constant 3 : index
    %get3A_34 = arith.constant 0 : index
    %get3A_35 = vector.load %arg2[%get3A_33, %get3A_34] : memref<8x16128xf32, #tpu.memory_space<vmem>>, vector<1x16128xf32>
    %get3A_36 = arith.constant 4 : index
    %get3A_37 = arith.constant 0 : index
    %get3A_38 = vector.load %arg2[%get3A_36, %get3A_37] : memref<8x16128xf32, #tpu.memory_space<vmem>>, vector<1x16128xf32>
    %logistic3A = arith.negf %get3A_3 : vector<1x16128xf32>
    %logistic3A_39 = math.exp %logistic3A : vector<1x16128xf32>
    %logistic3A_40 = arith.constant 1.000000e+00 : f32
    %logistic3A_41 = vector.broadcast %logistic3A_40 : f32 to vector<1x16128xf32>
    %logistic3A_42 = arith.addf %logistic3A_41, %logistic3A_39 : vector<1x16128xf32>
    %logistic3A_43 = arith.divf %logistic3A_41, %logistic3A_42 : vector<1x16128xf32>
    %mul3A = arith.mulf %logistic3A_43, %get3A_38 : vector<1x16128xf32>
    %add3A = arith.addf %mul3A, %get3A_26 : vector<1x16128xf32>
    %logistic3A_44 = arith.negf %get3A_8 : vector<1x16128xf32>
    %logistic3A_45 = math.exp %logistic3A_44 : vector<1x16128xf32>
    %logistic3A_46 = arith.constant 1.000000e+00 : f32
    %logistic3A_47 = vector.broadcast %logistic3A_46 : f32 to vector<1x16128xf32>
    %logistic3A_48 = arith.addf %logistic3A_47, %logistic3A_45 : vector<1x16128xf32>
    %logistic3A_49 = arith.divf %logistic3A_47, %logistic3A_48 : vector<1x16128xf32>
    %mul3A_50 = arith.mulf %logistic3A_49, %get3A_38 : vector<1x16128xf32>
    %add3A_51 = arith.addf %mul3A_50, %get3A_29 : vector<1x16128xf32>
    %exp3A = math.exp %get3A_13 : vector<1x16128xf32>
    %mul3A_52 = arith.mulf %exp3A, %get3A_32 : vector<1x16128xf32>
    %exp3A_53 = math.exp %get3A_18 : vector<1x16128xf32>
    %mul3A_54 = arith.mulf %exp3A_53, %get3A_35 : vector<1x16128xf32>
    %mul3A_55 = arith.constant 5.000000e-01 : f32
    %mul3A_56 = vector.broadcast %mul3A_55 : f32 to vector<1x16128xf32>
    %mul3A_57 = arith.mulf %mul3A_52, %mul3A_56 : vector<1x16128xf32>
    %sub3A = arith.subf %add3A, %mul3A_57 : vector<1x16128xf32>
    %mul3A_58 = arith.constant 5.000000e-01 : f32
    %mul3A_59 = vector.broadcast %mul3A_58 : f32 to vector<1x16128xf32>
    %mul3A_60 = arith.mulf %mul3A_54, %mul3A_59 : vector<1x16128xf32>
    %sub3A_61 = arith.subf %add3A_51, %mul3A_60 : vector<1x16128xf32>
    %mul3A_62 = arith.constant 5.000000e-01 : f32
    %mul3A_63 = vector.broadcast %mul3A_62 : f32 to vector<1x16128xf32>
    %mul3A_64 = arith.mulf %mul3A_52, %mul3A_63 : vector<1x16128xf32>
    %add3A_65 = arith.addf %add3A, %mul3A_64 : vector<1x16128xf32>
    %mul3A_66 = arith.constant 5.000000e-01 : f32
    %mul3A_67 = vector.broadcast %mul3A_66 : f32 to vector<1x16128xf32>
    %mul3A_68 = arith.mulf %mul3A_54, %mul3A_67 : vector<1x16128xf32>
    %add3A_69 = arith.addf %add3A_51, %mul3A_68 : vector<1x16128xf32>
    %swap3A = arith.constant 0 : index
    %swap3A_70 = arith.constant 0 : index
    %swap3A_71 = arith.constant 0 : index
    %swap3A_72 = vector.load %arg5[%swap3A, %swap3A_70, %swap3A_71] : memref<1x8x16128xf32, #tpu.memory_space<vmem>>, vector<1x1x16128xf32>
    %swap3A_73 = vector.shape_cast %swap3A_72 : vector<1x1x16128xf32> to vector<1x16128xf32>
    %swap3A_74 = vector.shape_cast %sub3A : vector<1x16128xf32> to vector<1x1x16128xf32>
    tpu.vector_store %arg5[%swap3A, %swap3A_70, %swap3A_71], %swap3A_74 {strides = array<i32>} : memref<1x8x16128xf32, #tpu.memory_space<vmem>>, vector<1x1x16128xf32>,
    %swap3A_75 = arith.constant 0 : index
    %swap3A_76 = arith.constant 1 : index
    %swap3A_77 = arith.constant 0 : index
    %swap3A_78 = vector.load %arg5[%swap3A_75, %swap3A_76, %swap3A_77] : memref<1x8x16128xf32, #tpu.memory_space<vmem>>, vector<1x1x16128xf32>
    %swap3A_79 = vector.shape_cast %swap3A_78 : vector<1x1x16128xf32> to vector<1x16128xf32>
    %swap3A_80 = vector.shape_cast %sub3A_61 : vector<1x16128xf32> to vector<1x1x16128xf32>
    tpu.vector_store %arg5[%swap3A_75, %swap3A_76, %swap3A_77], %swap3A_80 {strides = array<i32>} : memref<1x8x16128xf32, #tpu.memory_space<vmem>>, vector<1x1x16128xf32>,
    %swap3A_81 = arith.constant 0 : index
    %swap3A_82 = arith.constant 2 : index
    %swap3A_83 = arith.constant 0 : index
    %swap3A_84 = vector.load %arg5[%swap3A_81, %swap3A_82, %swap3A_83] : memref<1x8x16128xf32, #tpu.memory_space<vmem>>, vector<1x1x16128xf32>
    %swap3A_85 = vector.shape_cast %swap3A_84 : vector<1x1x16128xf32> to vector<1x16128xf32>
    %swap3A_86 = vector.shape_cast %add3A_65 : vector<1x16128xf32> to vector<1x1x16128xf32>
    tpu.vector_store %arg5[%swap3A_81, %swap3A_82, %swap3A_83], %swap3A_86 {strides = array<i32>} : memref<1x8x16128xf32, #tpu.memory_space<vmem>>, vector<1x1x16128xf32>,
    %swap3A_87 = arith.constant 0 : index
    %swap3A_88 = arith.constant 3 : index
    %swap3A_89 = arith.constant 0 : index
    %swap3A_90 = vector.load %arg5[%swap3A_87, %swap3A_88, %swap3A_89] : memref<1x8x16128xf32, #tpu.memory_space<vmem>>, vector<1x1x16128xf32>
    %swap3A_91 = vector.shape_cast %swap3A_90 : vector<1x1x16128xf32> to vector<1x16128xf32>
    %swap3A_92 = vector.shape_cast %add3A_69 : vector<1x16128xf32> to vector<1x1x16128xf32>
    tpu.vector_store %arg5[%swap3A_87, %swap3A_88, %swap3A_89], %swap3A_92 {strides = array<i32>} : memref<1x8x16128xf32, #tpu.memory_space<vmem>>, vector<1x1x16128xf32>,
    %broadcast_in_dim3A = arith.constant 0.000000e+00 : f32
    %broadcast_in_dim3A_93 = vector.broadcast %broadcast_in_dim3A : f32 to vector<4x16128xf32>
    %swap3A_94 = arith.constant 0 : index
    %swap3A_95 = arith.constant 4 : index
    %swap3A_96 = arith.constant 0 : index
    %swap3A_97 = vector.load %arg5[%swap3A_94, %swap3A_95, %swap3A_96] : memref<1x8x16128xf32, #tpu.memory_space<vmem>>, vector<1x4x16128xf32>
    %swap3A_98 = vector.shape_cast %swap3A_97 : vector<1x4x16128xf32> to vector<4x16128xf32>
    %swap3A_99 = vector.shape_cast %broadcast_in_dim3A_93 : vector<4x16128xf32> to vector<1x4x16128xf32>
    tpu.vector_store %arg5[%swap3A_94, %swap3A_95, %swap3A_96], %swap3A_99 {strides = array<i32>} : memref<1x8x16128xf32, #tpu.memory_space<vmem>>, vector<1x4x16128xf32>,
    %logistic3A_100 = arith.negf %get3A_23 : vector<1x16128xf32>
    %logistic3A_101 = math.exp %logistic3A_100 : vector<1x16128xf32>
    %logistic3A_102 = arith.constant 1.000000e+00 : f32
    %logistic3A_103 = vector.broadcast %logistic3A_102 : f32 to vector<1x16128xf32>
    %logistic3A_104 = arith.addf %logistic3A_103, %logistic3A_101 : vector<1x16128xf32>
    %logistic3A_105 = arith.divf %logistic3A_103, %logistic3A_104 : vector<1x16128xf32>
    %get3A_106 = arith.constant 0 : index
    %get3A_107 = arith.constant 0 : index
    %get3A_108 = arith.constant 0 : index
    %get3A_109 = vector.load %arg3[%get3A_106, %get3A_107, %get3A_108] : memref<1x80x16128xf32, #tpu.memory_space<vmem>>, vector<1x80x16128xf32>
    %get3A_110 = vector.shape_cast %get3A_109 : vector<1x80x16128xf32> to vector<80x16128xf32>
    %logistic3A_111 = arith.negf %get3A_110 : vector<80x16128xf32>
    %logistic3A_112 = math.exp %logistic3A_111 : vector<80x16128xf32>
    %logistic3A_113 = arith.constant 1.000000e+00 : f32
    %logistic3A_114 = vector.broadcast %logistic3A_113 : f32 to vector<80x16128xf32>
    %logistic3A_115 = arith.addf %logistic3A_114, %logistic3A_112 : vector<80x16128xf32>
    %logistic3A_116 = arith.divf %logistic3A_114, %logistic3A_115 : vector<80x16128xf32>
    %mul3A_117 = vector.broadcast %logistic3A_105 : vector<1x16128xf32> to vector<80x16128xf32>
    %mul3A_118 = arith.mulf %mul3A_117, %logistic3A_116 : vector<80x16128xf32>
    %broadcast_in_dim3A_119 = arith.constant 2.000000e+00 : f32
    %broadcast_in_dim3A_120 = vector.broadcast %broadcast_in_dim3A_119 : f32 to vector<80x1xf32>
    %gt3A = arith.constant 0.899999976 : f32
    %gt3A_121 = vector.broadcast %gt3A : f32 to vector<80x16128xf32>
    %gt3A_122 = arith.cmpf ogt, %mul3A_118, %gt3A_121 : vector<80x16128xf32>
    %convert_element_type3A = arith.extui %gt3A_122 : vector<80x16128xi1> to vector<80x16128xi32>
    %convert_element_type3A_123 = arith.sitofp %convert_element_type3A : vector<80x16128xi32> to vector<80x16128xf32>
    %reduce_sum3A = arith.constant dense<0.000000e+00> : vector<80xf32>
    %reduce_sum3A_124 = vector.multi_reduction <add>, %convert_element_type3A_123, %reduce_sum3A [1] : vector<80x16128xf32> to vector<80xf32>
    %broadcast_in_dim3A_125 = vector.shape_cast %reduce_sum3A_124 : vector<80xf32> to vector<80x1xf32>
    %le3A = arith.constant 2.048000e+03 : f32
    %le3A_126 = vector.broadcast %le3A : f32 to vector<80x1xf32>
    %le3A_127 = arith.cmpf ole, %broadcast_in_dim3A_125, %le3A_126 : vector<80x1xf32>
    %jit3A = arith.constant 0.899999976 : f32
    %broadcast_in_dim3A_128 = vector.broadcast %jit3A : f32 to vector<80x1xf32>
    %select_n3A = arith.select %le3A_127, %broadcast_in_dim3A_128, %broadcast_in_dim3A_120 : vector<80x1xi1>, vector<80x1xf32>
    %gt3A_129 = arith.constant 0.879999995 : f32
    %gt3A_130 = vector.broadcast %gt3A_129 : f32 to vector<80x16128xf32>
    %gt3A_131 = arith.cmpf ogt, %mul3A_118, %gt3A_130 : vector<80x16128xf32>
    %convert_element_type3A_132 = arith.extui %gt3A_131 : vector<80x16128xi1> to vector<80x16128xi32>
    %convert_element_type3A_133 = arith.sitofp %convert_element_type3A_132 : vector<80x16128xi32> to vector<80x16128xf32>
    %reduce_sum3A_134 = arith.constant dense<0.000000e+00> : vector<80xf32>
    %reduce_sum3A_135 = vector.multi_reduction <add>, %convert_element_type3A_133, %reduce_sum3A_134 [1] : vector<80x16128xf32> to vector<80xf32>
    %broadcast_in_dim3A_136 = vector.shape_cast %reduce_sum3A_135 : vector<80xf32> to vector<80x1xf32>
    %le3A_137 = arith.constant 2.048000e+03 : f32
    %le3A_138 = vector.broadcast %le3A_137 : f32 to vector<80x1xf32>
    %le3A_139 = arith.cmpf ole, %broadcast_in_dim3A_136, %le3A_138 : vector<80x1xf32>
    %jit3A_140 = arith.constant 0.879999995 : f32
    %broadcast_in_dim3A_141 = vector.broadcast %jit3A_140 : f32 to vector<80x1xf32>
    %select_n3A_142 = arith.select %le3A_139, %broadcast_in_dim3A_141, %select_n3A : vector<80x1xi1>, vector<80x1xf32>
    %gt3A_143 = arith.constant 8.600000e-01 : f32
    %gt3A_144 = vector.broadcast %gt3A_143 : f32 to vector<80x16128xf32>
    %gt3A_145 = arith.cmpf ogt, %mul3A_118, %gt3A_144 : vector<80x16128xf32>
    %convert_element_type3A_146 = arith.extui %gt3A_145 : vector<80x16128xi1> to vector<80x16128xi32>
    %convert_element_type3A_147 = arith.sitofp %convert_element_type3A_146 : vector<80x16128xi32> to vector<80x16128xf32>
    %reduce_sum3A_148 = arith.constant dense<0.000000e+00> : vector<80xf32>
    %reduce_sum3A_149 = vector.multi_reduction <add>, %convert_element_type3A_147, %reduce_sum3A_148 [1] : vector<80x16128xf32> to vector<80xf32>
    %broadcast_in_dim3A_150 = vector.shape_cast %reduce_sum3A_149 : vector<80xf32> to vector<80x1xf32>
    %le3A_151 = arith.constant 2.048000e+03 : f32
    %le3A_152 = vector.broadcast %le3A_151 : f32 to vector<80x1xf32>
    %le3A_153 = arith.cmpf ole, %broadcast_in_dim3A_150, %le3A_152 : vector<80x1xf32>
    %jit3A_154 = arith.constant 8.600000e-01 : f32
    %broadcast_in_dim3A_155 = vector.broadcast %jit3A_154 : f32 to vector<80x1xf32>
    %select_n3A_156 = arith.select %le3A_153, %broadcast_in_dim3A_155, %select_n3A_142 : vector<80x1xi1>, vector<80x1xf32>
    %gt3A_157 = arith.constant 0.839999973 : f32
    %gt3A_158 = vector.broadcast %gt3A_157 : f32 to vector<80x16128xf32>
    %gt3A_159 = arith.cmpf ogt, %mul3A_118, %gt3A_158 : vector<80x16128xf32>
    %convert_element_type3A_160 = arith.extui %gt3A_159 : vector<80x16128xi1> to vector<80x16128xi32>
    %convert_element_type3A_161 = arith.sitofp %convert_element_type3A_160 : vector<80x16128xi32> to vector<80x16128xf32>
    %reduce_sum3A_162 = arith.constant dense<0.000000e+00> : vector<80xf32>
    %reduce_sum3A_163 = vector.multi_reduction <add>, %convert_element_type3A_161, %reduce_sum3A_162 [1] : vector<80x16128xf32> to vector<80xf32>
    %broadcast_in_dim3A_164 = vector.shape_cast %reduce_sum3A_163 : vector<80xf32> to vector<80x1xf32>
    %le3A_165 = arith.constant 2.048000e+03 : f32
    %le3A_166 = vector.broadcast %le3A_165 : f32 to vector<80x1xf32>
    %le3A_167 = arith.cmpf ole, %broadcast_in_dim3A_164, %le3A_166 : vector<80x1xf32>
    %jit3A_168 = arith.constant 0.839999973 : f32
    %broadcast_in_dim3A_169 = vector.broadcast %jit3A_168 : f32 to vector<80x1xf32>
    %select_n3A_170 = arith.select %le3A_167, %broadcast_in_dim3A_169, %select_n3A_156 : vector<80x1xi1>, vector<80x1xf32>
    %gt3A_171 = arith.constant 0.819999992 : f32
    %gt3A_172 = vector.broadcast %gt3A_171 : f32 to vector<80x16128xf32>
    %gt3A_173 = arith.cmpf ogt, %mul3A_118, %gt3A_172 : vector<80x16128xf32>
    %convert_element_type3A_174 = arith.extui %gt3A_173 : vector<80x16128xi1> to vector<80x16128xi32>
    %convert_element_type3A_175 = arith.sitofp %convert_element_type3A_174 : vector<80x16128xi32> to vector<80x16128xf32>
    %reduce_sum3A_176 = arith.constant dense<0.000000e+00> : vector<80xf32>
    %reduce_sum3A_177 = vector.multi_reduction <add>, %convert_element_type3A_175, %reduce_sum3A_176 [1] : vector<80x16128xf32> to vector<80xf32>
    %broadcast_in_dim3A_178 = vector.shape_cast %reduce_sum3A_177 : vector<80xf32> to vector<80x1xf32>
    %le3A_179 = arith.constant 2.048000e+03 : f32
    %le3A_180 = vector.broadcast %le3A_179 : f32 to vector<80x1xf32>
    %le3A_181 = arith.cmpf ole, %broadcast_in_dim3A_178, %le3A_180 : vector<80x1xf32>
    %jit3A_182 = arith.constant 0.819999992 : f32
    %broadcast_in_dim3A_183 = vector.broadcast %jit3A_182 : f32 to vector<80x1xf32>
    %select_n3A_184 = arith.select %le3A_181, %broadcast_in_dim3A_183, %select_n3A_170 : vector<80x1xi1>, vector<80x1xf32>
    %gt3A_185 = arith.constant 8.000000e-01 : f32
    %gt3A_186 = vector.broadcast %gt3A_185 : f32 to vector<80x16128xf32>
    %gt3A_187 = arith.cmpf ogt, %mul3A_118, %gt3A_186 : vector<80x16128xf32>
    %convert_element_type3A_188 = arith.extui %gt3A_187 : vector<80x16128xi1> to vector<80x16128xi32>
    %convert_element_type3A_189 = arith.sitofp %convert_element_type3A_188 : vector<80x16128xi32> to vector<80x16128xf32>
    %reduce_sum3A_190 = arith.constant dense<0.000000e+00> : vector<80xf32>
    %reduce_sum3A_191 = vector.multi_reduction <add>, %convert_element_type3A_189, %reduce_sum3A_190 [1] : vector<80x16128xf32> to vector<80xf32>
    %broadcast_in_dim3A_192 = vector.shape_cast %reduce_sum3A_191 : vector<80xf32> to vector<80x1xf32>
    %le3A_193 = arith.constant 2.048000e+03 : f32
    %le3A_194 = vector.broadcast %le3A_193 : f32 to vector<80x1xf32>
    %le3A_195 = arith.cmpf ole, %broadcast_in_dim3A_192, %le3A_194 : vector<80x1xf32>
    %jit3A_196 = arith.constant 8.000000e-01 : f32
    %broadcast_in_dim3A_197 = vector.broadcast %jit3A_196 : f32 to vector<80x1xf32>
    %select_n3A_198 = arith.select %le3A_195, %broadcast_in_dim3A_197, %select_n3A_184 : vector<80x1xi1>, vector<80x1xf32>
    %gt3A_199 = arith.constant 7.800000e-01 : f32
    %gt3A_200 = vector.broadcast %gt3A_199 : f32 to vector<80x16128xf32>
    %gt3A_201 = arith.cmpf ogt, %mul3A_118, %gt3A_200 : vector<80x16128xf32>
    %convert_element_type3A_202 = arith.extui %gt3A_201 : vector<80x16128xi1> to vector<80x16128xi32>
    %convert_element_type3A_203 = arith.sitofp %convert_element_type3A_202 : vector<80x16128xi32> to vector<80x16128xf32>
    %reduce_sum3A_204 = arith.constant dense<0.000000e+00> : vector<80xf32>
    %reduce_sum3A_205 = vector.multi_reduction <add>, %convert_element_type3A_203, %reduce_sum3A_204 [1] : vector<80x16128xf32> to vector<80xf32>
    %broadcast_in_dim3A_206 = vector.shape_cast %reduce_sum3A_205 : vector<80xf32> to vector<80x1xf32>
    %le3A_207 = arith.constant 2.048000e+03 : f32
    %le3A_208 = vector.broadcast %le3A_207 : f32 to vector<80x1xf32>
    %le3A_209 = arith.cmpf ole, %broadcast_in_dim3A_206, %le3A_208 : vector<80x1xf32>
    %jit3A_210 = arith.constant 7.800000e-01 : f32
    %broadcast_in_dim3A_211 = vector.broadcast %jit3A_210 : f32 to vector<80x1xf32>
    %select_n3A_212 = arith.select %le3A_209, %broadcast_in_dim3A_211, %select_n3A_198 : vector<80x1xi1>, vector<80x1xf32>
    %gt3A_213 = arith.constant 7.600000e-01 : f32
    %gt3A_214 = vector.broadcast %gt3A_213 : f32 to vector<80x16128xf32>
    %gt3A_215 = arith.cmpf ogt, %mul3A_118, %gt3A_214 : vector<80x16128xf32>
    %convert_element_type3A_216 = arith.extui %gt3A_215 : vector<80x16128xi1> to vector<80x16128xi32>
    %convert_element_type3A_217 = arith.sitofp %convert_element_type3A_216 : vector<80x16128xi32> to vector<80x16128xf32>
    %reduce_sum3A_218 = arith.constant dense<0.000000e+00> : vector<80xf32>
    %reduce_sum3A_219 = vector.multi_reduction <add>, %convert_element_type3A_217, %reduce_sum3A_218 [1] : vector<80x16128xf32> to vector<80xf32>
    %broadcast_in_dim3A_220 = vector.shape_cast %reduce_sum3A_219 : vector<80xf32> to vector<80x1xf32>
    %le3A_221 = arith.constant 2.048000e+03 : f32
    %le3A_222 = vector.broadcast %le3A_221 : f32 to vector<80x1xf32>
    %le3A_223 = arith.cmpf ole, %broadcast_in_dim3A_220, %le3A_222 : vector<80x1xf32>
    %jit3A_224 = arith.constant 7.600000e-01 : f32
    %broadcast_in_dim3A_225 = vector.broadcast %jit3A_224 : f32 to vector<80x1xf32>
    %select_n3A_226 = arith.select %le3A_223, %broadcast_in_dim3A_225, %select_n3A_212 : vector<80x1xi1>, vector<80x1xf32>
    %gt3A_227 = arith.constant 7.400000e-01 : f32
    %gt3A_228 = vector.broadcast %gt3A_227 : f32 to vector<80x16128xf32>
    %gt3A_229 = arith.cmpf ogt, %mul3A_118, %gt3A_228 : vector<80x16128xf32>
    %convert_element_type3A_230 = arith.extui %gt3A_229 : vector<80x16128xi1> to vector<80x16128xi32>
    %convert_element_type3A_231 = arith.sitofp %convert_element_type3A_230 : vector<80x16128xi32> to vector<80x16128xf32>
    %reduce_sum3A_232 = arith.constant dense<0.000000e+00> : vector<80xf32>
    %reduce_sum3A_233 = vector.multi_reduction <add>, %convert_element_type3A_231, %reduce_sum3A_232 [1] : vector<80x16128xf32> to vector<80xf32>
    %broadcast_in_dim3A_234 = vector.shape_cast %reduce_sum3A_233 : vector<80xf32> to vector<80x1xf32>
    %le3A_235 = arith.constant 2.048000e+03 : f32
    %le3A_236 = vector.broadcast %le3A_235 : f32 to vector<80x1xf32>
    %le3A_237 = arith.cmpf ole, %broadcast_in_dim3A_234, %le3A_236 : vector<80x1xf32>
    %jit3A_238 = arith.constant 7.400000e-01 : f32
    %broadcast_in_dim3A_239 = vector.broadcast %jit3A_238 : f32 to vector<80x1xf32>
    %select_n3A_240 = arith.select %le3A_237, %broadcast_in_dim3A_239, %select_n3A_226 : vector<80x1xi1>, vector<80x1xf32>
    %gt3A_241 = arith.constant 7.200000e-01 : f32
    %gt3A_242 = vector.broadcast %gt3A_241 : f32 to vector<80x16128xf32>
    %gt3A_243 = arith.cmpf ogt, %mul3A_118, %gt3A_242 : vector<80x16128xf32>
    %convert_element_type3A_244 = arith.extui %gt3A_243 : vector<80x16128xi1> to vector<80x16128xi32>
    %convert_element_type3A_245 = arith.sitofp %convert_element_type3A_244 : vector<80x16128xi32> to vector<80x16128xf32>
    %reduce_sum3A_246 = arith.constant dense<0.000000e+00> : vector<80xf32>
    %reduce_sum3A_247 = vector.multi_reduction <add>, %convert_element_type3A_245, %reduce_sum3A_246 [1] : vector<80x16128xf32> to vector<80xf32>
    %broadcast_in_dim3A_248 = vector.shape_cast %reduce_sum3A_247 : vector<80xf32> to vector<80x1xf32>
    %le3A_249 = arith.constant 2.048000e+03 : f32
    %le3A_250 = vector.broadcast %le3A_249 : f32 to vector<80x1xf32>
    %le3A_251 = arith.cmpf ole, %broadcast_in_dim3A_248, %le3A_250 : vector<80x1xf32>
    %jit3A_252 = arith.constant 7.200000e-01 : f32
    %broadcast_in_dim3A_253 = vector.broadcast %jit3A_252 : f32 to vector<80x1xf32>
    %select_n3A_254 = arith.select %le3A_251, %broadcast_in_dim3A_253, %select_n3A_240 : vector<80x1xi1>, vector<80x1xf32>
    %gt3A_255 = arith.constant 0.699999988 : f32
    %gt3A_256 = vector.broadcast %gt3A_255 : f32 to vector<80x16128xf32>
    %gt3A_257 = arith.cmpf ogt, %mul3A_118, %gt3A_256 : vector<80x16128xf32>
    %convert_element_type3A_258 = arith.extui %gt3A_257 : vector<80x16128xi1> to vector<80x16128xi32>
    %convert_element_type3A_259 = arith.sitofp %convert_element_type3A_258 : vector<80x16128xi32> to vector<80x16128xf32>
    %reduce_sum3A_260 = arith.constant dense<0.000000e+00> : vector<80xf32>
    %reduce_sum3A_261 = vector.multi_reduction <add>, %convert_element_type3A_259, %reduce_sum3A_260 [1] : vector<80x16128xf32> to vector<80xf32>
    %broadcast_in_dim3A_262 = vector.shape_cast %reduce_sum3A_261 : vector<80xf32> to vector<80x1xf32>
    %le3A_263 = arith.constant 2.048000e+03 : f32
    %le3A_264 = vector.broadcast %le3A_263 : f32 to vector<80x1xf32>
    %le3A_265 = arith.cmpf ole, %broadcast_in_dim3A_262, %le3A_264 : vector<80x1xf32>
    %jit3A_266 = arith.constant 0.699999988 : f32
    %broadcast_in_dim3A_267 = vector.broadcast %jit3A_266 : f32 to vector<80x1xf32>
    %select_n3A_268 = arith.select %le3A_265, %broadcast_in_dim3A_267, %select_n3A_254 : vector<80x1xi1>, vector<80x1xf32>
    %gt3A_269 = arith.constant 6.800000e-01 : f32
    %gt3A_270 = vector.broadcast %gt3A_269 : f32 to vector<80x16128xf32>
    %gt3A_271 = arith.cmpf ogt, %mul3A_118, %gt3A_270 : vector<80x16128xf32>
    %convert_element_type3A_272 = arith.extui %gt3A_271 : vector<80x16128xi1> to vector<80x16128xi32>
    %convert_element_type3A_273 = arith.sitofp %convert_element_type3A_272 : vector<80x16128xi32> to vector<80x16128xf32>
    %reduce_sum3A_274 = arith.constant dense<0.000000e+00> : vector<80xf32>
    %reduce_sum3A_275 = vector.multi_reduction <add>, %convert_element_type3A_273, %reduce_sum3A_274 [1] : vector<80x16128xf32> to vector<80xf32>
    %broadcast_in_dim3A_276 = vector.shape_cast %reduce_sum3A_275 : vector<80xf32> to vector<80x1xf32>
    %le3A_277 = arith.constant 2.048000e+03 : f32
    %le3A_278 = vector.broadcast %le3A_277 : f32 to vector<80x1xf32>
    %le3A_279 = arith.cmpf ole, %broadcast_in_dim3A_276, %le3A_278 : vector<80x1xf32>
    %jit3A_280 = arith.constant 6.800000e-01 : f32
    %broadcast_in_dim3A_281 = vector.broadcast %jit3A_280 : f32 to vector<80x1xf32>
    %select_n3A_282 = arith.select %le3A_279, %broadcast_in_dim3A_281, %select_n3A_268 : vector<80x1xi1>, vector<80x1xf32>
    %gt3A_283 = arith.constant 6.600000e-01 : f32
    %gt3A_284 = vector.broadcast %gt3A_283 : f32 to vector<80x16128xf32>
    %gt3A_285 = arith.cmpf ogt, %mul3A_118, %gt3A_284 : vector<80x16128xf32>
    %convert_element_type3A_286 = arith.extui %gt3A_285 : vector<80x16128xi1> to vector<80x16128xi32>
    %convert_element_type3A_287 = arith.sitofp %convert_element_type3A_286 : vector<80x16128xi32> to vector<80x16128xf32>
    %reduce_sum3A_288 = arith.constant dense<0.000000e+00> : vector<80xf32>
    %reduce_sum3A_289 = vector.multi_reduction <add>, %convert_element_type3A_287, %reduce_sum3A_288 [1] : vector<80x16128xf32> to vector<80xf32>
    %broadcast_in_dim3A_290 = vector.shape_cast %reduce_sum3A_289 : vector<80xf32> to vector<80x1xf32>
    %le3A_291 = arith.constant 2.048000e+03 : f32
    %le3A_292 = vector.broadcast %le3A_291 : f32 to vector<80x1xf32>
    %le3A_293 = arith.cmpf ole, %broadcast_in_dim3A_290, %le3A_292 : vector<80x1xf32>
    %jit3A_294 = arith.constant 6.600000e-01 : f32
    %broadcast_in_dim3A_295 = vector.broadcast %jit3A_294 : f32 to vector<80x1xf32>
    %select_n3A_296 = arith.select %le3A_293, %broadcast_in_dim3A_295, %select_n3A_282 : vector<80x1xi1>, vector<80x1xf32>
    %gt3A_297 = arith.constant 6.400000e-01 : f32
    %gt3A_298 = vector.broadcast %gt3A_297 : f32 to vector<80x16128xf32>
    %gt3A_299 = arith.cmpf ogt, %mul3A_118, %gt3A_298 : vector<80x16128xf32>
    %convert_element_type3A_300 = arith.extui %gt3A_299 : vector<80x16128xi1> to vector<80x16128xi32>
    %convert_element_type3A_301 = arith.sitofp %convert_element_type3A_300 : vector<80x16128xi32> to vector<80x16128xf32>
    %reduce_sum3A_302 = arith.constant dense<0.000000e+00> : vector<80xf32>
    %reduce_sum3A_303 = vector.multi_reduction <add>, %convert_element_type3A_301, %reduce_sum3A_302 [1] : vector<80x16128xf32> to vector<80xf32>
    %broadcast_in_dim3A_304 = vector.shape_cast %reduce_sum3A_303 : vector<80xf32> to vector<80x1xf32>
    %le3A_305 = arith.constant 2.048000e+03 : f32
    %le3A_306 = vector.broadcast %le3A_305 : f32 to vector<80x1xf32>
    %le3A_307 = arith.cmpf ole, %broadcast_in_dim3A_304, %le3A_306 : vector<80x1xf32>
    %jit3A_308 = arith.constant 6.400000e-01 : f32
    %broadcast_in_dim3A_309 = vector.broadcast %jit3A_308 : f32 to vector<80x1xf32>
    %select_n3A_310 = arith.select %le3A_307, %broadcast_in_dim3A_309, %select_n3A_296 : vector<80x1xi1>, vector<80x1xf32>
    %gt3A_311 = arith.constant 6.200000e-01 : f32
    %gt3A_312 = vector.broadcast %gt3A_311 : f32 to vector<80x16128xf32>
    %gt3A_313 = arith.cmpf ogt, %mul3A_118, %gt3A_312 : vector<80x16128xf32>
    %convert_element_type3A_314 = arith.extui %gt3A_313 : vector<80x16128xi1> to vector<80x16128xi32>
    %convert_element_type3A_315 = arith.sitofp %convert_element_type3A_314 : vector<80x16128xi32> to vector<80x16128xf32>
    %reduce_sum3A_316 = arith.constant dense<0.000000e+00> : vector<80xf32>
    %reduce_sum3A_317 = vector.multi_reduction <add>, %convert_element_type3A_315, %reduce_sum3A_316 [1] : vector<80x16128xf32> to vector<80xf32>
    %broadcast_in_dim3A_318 = vector.shape_cast %reduce_sum3A_317 : vector<80xf32> to vector<80x1xf32>
    %le3A_319 = arith.constant 2.048000e+03 : f32
    %le3A_320 = vector.broadcast %le3A_319 : f32 to vector<80x1xf32>
    %le3A_321 = arith.cmpf ole, %broadcast_in_dim3A_318, %le3A_320 : vector<80x1xf32>
    %jit3A_322 = arith.constant 6.200000e-01 : f32
    %broadcast_in_dim3A_323 = vector.broadcast %jit3A_322 : f32 to vector<80x1xf32>
    %select_n3A_324 = arith.select %le3A_321, %broadcast_in_dim3A_323, %select_n3A_310 : vector<80x1xi1>, vector<80x1xf32>
    %gt3A_325 = arith.constant 6.000000e-01 : f32
    %gt3A_326 = vector.broadcast %gt3A_325 : f32 to vector<80x16128xf32>
    %gt3A_327 = arith.cmpf ogt, %mul3A_118, %gt3A_326 : vector<80x16128xf32>
    %convert_element_type3A_328 = arith.extui %gt3A_327 : vector<80x16128xi1> to vector<80x16128xi32>
    %convert_element_type3A_329 = arith.sitofp %convert_element_type3A_328 : vector<80x16128xi32> to vector<80x16128xf32>
    %reduce_sum3A_330 = arith.constant dense<0.000000e+00> : vector<80xf32>
    %reduce_sum3A_331 = vector.multi_reduction <add>, %convert_element_type3A_329, %reduce_sum3A_330 [1] : vector<80x16128xf32> to vector<80xf32>
    %broadcast_in_dim3A_332 = vector.shape_cast %reduce_sum3A_331 : vector<80xf32> to vector<80x1xf32>
    %le3A_333 = arith.constant 2.048000e+03 : f32
    %le3A_334 = vector.broadcast %le3A_333 : f32 to vector<80x1xf32>
    %le3A_335 = arith.cmpf ole, %broadcast_in_dim3A_332, %le3A_334 : vector<80x1xf32>
    %jit3A_336 = arith.constant 6.000000e-01 : f32
    %broadcast_in_dim3A_337 = vector.broadcast %jit3A_336 : f32 to vector<80x1xf32>
    %select_n3A_338 = arith.select %le3A_335, %broadcast_in_dim3A_337, %select_n3A_324 : vector<80x1xi1>, vector<80x1xf32>
    %gt3A_339 = arith.constant 5.800000e-01 : f32
    %gt3A_340 = vector.broadcast %gt3A_339 : f32 to vector<80x16128xf32>
    %gt3A_341 = arith.cmpf ogt, %mul3A_118, %gt3A_340 : vector<80x16128xf32>
    %convert_element_type3A_342 = arith.extui %gt3A_341 : vector<80x16128xi1> to vector<80x16128xi32>
    %convert_element_type3A_343 = arith.sitofp %convert_element_type3A_342 : vector<80x16128xi32> to vector<80x16128xf32>
    %reduce_sum3A_344 = arith.constant dense<0.000000e+00> : vector<80xf32>
    %reduce_sum3A_345 = vector.multi_reduction <add>, %convert_element_type3A_343, %reduce_sum3A_344 [1] : vector<80x16128xf32> to vector<80xf32>
    %broadcast_in_dim3A_346 = vector.shape_cast %reduce_sum3A_345 : vector<80xf32> to vector<80x1xf32>
    %le3A_347 = arith.constant 2.048000e+03 : f32
    %le3A_348 = vector.broadcast %le3A_347 : f32 to vector<80x1xf32>
    %le3A_349 = arith.cmpf ole, %broadcast_in_dim3A_346, %le3A_348 : vector<80x1xf32>
    %jit3A_350 = arith.constant 5.800000e-01 : f32
    %broadcast_in_dim3A_351 = vector.broadcast %jit3A_350 : f32 to vector<80x1xf32>
    %select_n3A_352 = arith.select %le3A_349, %broadcast_in_dim3A_351, %select_n3A_338 : vector<80x1xi1>, vector<80x1xf32>
    %gt3A_353 = arith.constant 5.600000e-01 : f32
    %gt3A_354 = vector.broadcast %gt3A_353 : f32 to vector<80x16128xf32>
    %gt3A_355 = arith.cmpf ogt, %mul3A_118, %gt3A_354 : vector<80x16128xf32>
    %convert_element_type3A_356 = arith.extui %gt3A_355 : vector<80x16128xi1> to vector<80x16128xi32>
    %convert_element_type3A_357 = arith.sitofp %convert_element_type3A_356 : vector<80x16128xi32> to vector<80x16128xf32>
    %reduce_sum3A_358 = arith.constant dense<0.000000e+00> : vector<80xf32>
    %reduce_sum3A_359 = vector.multi_reduction <add>, %convert_element_type3A_357, %reduce_sum3A_358 [1] : vector<80x16128xf32> to vector<80xf32>
    %broadcast_in_dim3A_360 = vector.shape_cast %reduce_sum3A_359 : vector<80xf32> to vector<80x1xf32>
    %le3A_361 = arith.constant 2.048000e+03 : f32
    %le3A_362 = vector.broadcast %le3A_361 : f32 to vector<80x1xf32>
    %le3A_363 = arith.cmpf ole, %broadcast_in_dim3A_360, %le3A_362 : vector<80x1xf32>
    %jit3A_364 = arith.constant 5.600000e-01 : f32
    %broadcast_in_dim3A_365 = vector.broadcast %jit3A_364 : f32 to vector<80x1xf32>
    %select_n3A_366 = arith.select %le3A_363, %broadcast_in_dim3A_365, %select_n3A_352 : vector<80x1xi1>, vector<80x1xf32>
    %gt3A_367 = arith.constant 5.400000e-01 : f32
    %gt3A_368 = vector.broadcast %gt3A_367 : f32 to vector<80x16128xf32>
    %gt3A_369 = arith.cmpf ogt, %mul3A_118, %gt3A_368 : vector<80x16128xf32>
    %convert_element_type3A_370 = arith.extui %gt3A_369 : vector<80x16128xi1> to vector<80x16128xi32>
    %convert_element_type3A_371 = arith.sitofp %convert_element_type3A_370 : vector<80x16128xi32> to vector<80x16128xf32>
    %reduce_sum3A_372 = arith.constant dense<0.000000e+00> : vector<80xf32>
    %reduce_sum3A_373 = vector.multi_reduction <add>, %convert_element_type3A_371, %reduce_sum3A_372 [1] : vector<80x16128xf32> to vector<80xf32>
    %broadcast_in_dim3A_374 = vector.shape_cast %reduce_sum3A_373 : vector<80xf32> to vector<80x1xf32>
    %le3A_375 = arith.constant 2.048000e+03 : f32
    %le3A_376 = vector.broadcast %le3A_375 : f32 to vector<80x1xf32>
    %le3A_377 = arith.cmpf ole, %broadcast_in_dim3A_374, %le3A_376 : vector<80x1xf32>
    %jit3A_378 = arith.constant 5.400000e-01 : f32
    %broadcast_in_dim3A_379 = vector.broadcast %jit3A_378 : f32 to vector<80x1xf32>
    %select_n3A_380 = arith.select %le3A_377, %broadcast_in_dim3A_379, %select_n3A_366 : vector<80x1xi1>, vector<80x1xf32>
    %gt3A_381 = arith.constant 5.200000e-01 : f32
    %gt3A_382 = vector.broadcast %gt3A_381 : f32 to vector<80x16128xf32>
    %gt3A_383 = arith.cmpf ogt, %mul3A_118, %gt3A_382 : vector<80x16128xf32>
    %convert_element_type3A_384 = arith.extui %gt3A_383 : vector<80x16128xi1> to vector<80x16128xi32>
    %convert_element_type3A_385 = arith.sitofp %convert_element_type3A_384 : vector<80x16128xi32> to vector<80x16128xf32>
    %reduce_sum3A_386 = arith.constant dense<0.000000e+00> : vector<80xf32>
    %reduce_sum3A_387 = vector.multi_reduction <add>, %convert_element_type3A_385, %reduce_sum3A_386 [1] : vector<80x16128xf32> to vector<80xf32>
    %broadcast_in_dim3A_388 = vector.shape_cast %reduce_sum3A_387 : vector<80xf32> to vector<80x1xf32>
    %le3A_389 = arith.constant 2.048000e+03 : f32
    %le3A_390 = vector.broadcast %le3A_389 : f32 to vector<80x1xf32>
    %le3A_391 = arith.cmpf ole, %broadcast_in_dim3A_388, %le3A_390 : vector<80x1xf32>
    %jit3A_392 = arith.constant 5.200000e-01 : f32
    %broadcast_in_dim3A_393 = vector.broadcast %jit3A_392 : f32 to vector<80x1xf32>
    %select_n3A_394 = arith.select %le3A_391, %broadcast_in_dim3A_393, %select_n3A_380 : vector<80x1xi1>, vector<80x1xf32>
    %gt3A_395 = arith.constant 5.000000e-01 : f32
    %gt3A_396 = vector.broadcast %gt3A_395 : f32 to vector<80x16128xf32>
    %gt3A_397 = arith.cmpf ogt, %mul3A_118, %gt3A_396 : vector<80x16128xf32>
    %convert_element_type3A_398 = arith.extui %gt3A_397 : vector<80x16128xi1> to vector<80x16128xi32>
    %convert_element_type3A_399 = arith.sitofp %convert_element_type3A_398 : vector<80x16128xi32> to vector<80x16128xf32>
    %reduce_sum3A_400 = arith.constant dense<0.000000e+00> : vector<80xf32>
    %reduce_sum3A_401 = vector.multi_reduction <add>, %convert_element_type3A_399, %reduce_sum3A_400 [1] : vector<80x16128xf32> to vector<80xf32>
    %broadcast_in_dim3A_402 = vector.shape_cast %reduce_sum3A_401 : vector<80xf32> to vector<80x1xf32>
    %le3A_403 = arith.constant 2.048000e+03 : f32
    %le3A_404 = vector.broadcast %le3A_403 : f32 to vector<80x1xf32>
    %le3A_405 = arith.cmpf ole, %broadcast_in_dim3A_402, %le3A_404 : vector<80x1xf32>
    %jit3A_406 = arith.constant 5.000000e-01 : f32
    %broadcast_in_dim3A_407 = vector.broadcast %jit3A_406 : f32 to vector<80x1xf32>
    %select_n3A_408 = arith.select %le3A_405, %broadcast_in_dim3A_407, %select_n3A_394 : vector<80x1xi1>, vector<80x1xf32>
    %gt3A_409 = arith.constant 4.800000e-01 : f32
    %gt3A_410 = vector.broadcast %gt3A_409 : f32 to vector<80x16128xf32>
    %gt3A_411 = arith.cmpf ogt, %mul3A_118, %gt3A_410 : vector<80x16128xf32>
    %convert_element_type3A_412 = arith.extui %gt3A_411 : vector<80x16128xi1> to vector<80x16128xi32>
    %convert_element_type3A_413 = arith.sitofp %convert_element_type3A_412 : vector<80x16128xi32> to vector<80x16128xf32>
    %reduce_sum3A_414 = arith.constant dense<0.000000e+00> : vector<80xf32>
    %reduce_sum3A_415 = vector.multi_reduction <add>, %convert_element_type3A_413, %reduce_sum3A_414 [1] : vector<80x16128xf32> to vector<80xf32>
    %broadcast_in_dim3A_416 = vector.shape_cast %reduce_sum3A_415 : vector<80xf32> to vector<80x1xf32>
    %le3A_417 = arith.constant 2.048000e+03 : f32
    %le3A_418 = vector.broadcast %le3A_417 : f32 to vector<80x1xf32>
    %le3A_419 = arith.cmpf ole, %broadcast_in_dim3A_416, %le3A_418 : vector<80x1xf32>
    %jit3A_420 = arith.constant 4.800000e-01 : f32
    %broadcast_in_dim3A_421 = vector.broadcast %jit3A_420 : f32 to vector<80x1xf32>
    %select_n3A_422 = arith.select %le3A_419, %broadcast_in_dim3A_421, %select_n3A_408 : vector<80x1xi1>, vector<80x1xf32>
    %gt3A_423 = arith.constant 4.600000e-01 : f32
    %gt3A_424 = vector.broadcast %gt3A_423 : f32 to vector<80x16128xf32>
    %gt3A_425 = arith.cmpf ogt, %mul3A_118, %gt3A_424 : vector<80x16128xf32>
    %convert_element_type3A_426 = arith.extui %gt3A_425 : vector<80x16128xi1> to vector<80x16128xi32>
    %convert_element_type3A_427 = arith.sitofp %convert_element_type3A_426 : vector<80x16128xi32> to vector<80x16128xf32>
    %reduce_sum3A_428 = arith.constant dense<0.000000e+00> : vector<80xf32>
    %reduce_sum3A_429 = vector.multi_reduction <add>, %convert_element_type3A_427, %reduce_sum3A_428 [1] : vector<80x16128xf32> to vector<80xf32>
    %broadcast_in_dim3A_430 = vector.shape_cast %reduce_sum3A_429 : vector<80xf32> to vector<80x1xf32>
    %le3A_431 = arith.constant 2.048000e+03 : f32
    %le3A_432 = vector.broadcast %le3A_431 : f32 to vector<80x1xf32>
    %le3A_433 = arith.cmpf ole, %broadcast_in_dim3A_430, %le3A_432 : vector<80x1xf32>
    %jit3A_434 = arith.constant 4.600000e-01 : f32
    %broadcast_in_dim3A_435 = vector.broadcast %jit3A_434 : f32 to vector<80x1xf32>
    %select_n3A_436 = arith.select %le3A_433, %broadcast_in_dim3A_435, %select_n3A_422 : vector<80x1xi1>, vector<80x1xf32>
    %gt3A_437 = arith.constant 4.400000e-01 : f32
    %gt3A_438 = vector.broadcast %gt3A_437 : f32 to vector<80x16128xf32>
    %gt3A_439 = arith.cmpf ogt, %mul3A_118, %gt3A_438 : vector<80x16128xf32>
    %convert_element_type3A_440 = arith.extui %gt3A_439 : vector<80x16128xi1> to vector<80x16128xi32>
    %convert_element_type3A_441 = arith.sitofp %convert_element_type3A_440 : vector<80x16128xi32> to vector<80x16128xf32>
    %reduce_sum3A_442 = arith.constant dense<0.000000e+00> : vector<80xf32>
    %reduce_sum3A_443 = vector.multi_reduction <add>, %convert_element_type3A_441, %reduce_sum3A_442 [1] : vector<80x16128xf32> to vector<80xf32>
    %broadcast_in_dim3A_444 = vector.shape_cast %reduce_sum3A_443 : vector<80xf32> to vector<80x1xf32>
    %le3A_445 = arith.constant 2.048000e+03 : f32
    %le3A_446 = vector.broadcast %le3A_445 : f32 to vector<80x1xf32>
    %le3A_447 = arith.cmpf ole, %broadcast_in_dim3A_444, %le3A_446 : vector<80x1xf32>
    %jit3A_448 = arith.constant 4.400000e-01 : f32
    %broadcast_in_dim3A_449 = vector.broadcast %jit3A_448 : f32 to vector<80x1xf32>
    %select_n3A_450 = arith.select %le3A_447, %broadcast_in_dim3A_449, %select_n3A_436 : vector<80x1xi1>, vector<80x1xf32>
    %gt3A_451 = arith.constant 4.200000e-01 : f32
    %gt3A_452 = vector.broadcast %gt3A_451 : f32 to vector<80x16128xf32>
    %gt3A_453 = arith.cmpf ogt, %mul3A_118, %gt3A_452 : vector<80x16128xf32>
    %convert_element_type3A_454 = arith.extui %gt3A_453 : vector<80x16128xi1> to vector<80x16128xi32>
    %convert_element_type3A_455 = arith.sitofp %convert_element_type3A_454 : vector<80x16128xi32> to vector<80x16128xf32>
    %reduce_sum3A_456 = arith.constant dense<0.000000e+00> : vector<80xf32>
    %reduce_sum3A_457 = vector.multi_reduction <add>, %convert_element_type3A_455, %reduce_sum3A_456 [1] : vector<80x16128xf32> to vector<80xf32>
    %broadcast_in_dim3A_458 = vector.shape_cast %reduce_sum3A_457 : vector<80xf32> to vector<80x1xf32>
    %le3A_459 = arith.constant 2.048000e+03 : f32
    %le3A_460 = vector.broadcast %le3A_459 : f32 to vector<80x1xf32>
    %le3A_461 = arith.cmpf ole, %broadcast_in_dim3A_458, %le3A_460 : vector<80x1xf32>
    %jit3A_462 = arith.constant 4.200000e-01 : f32
    %broadcast_in_dim3A_463 = vector.broadcast %jit3A_462 : f32 to vector<80x1xf32>
    %select_n3A_464 = arith.select %le3A_461, %broadcast_in_dim3A_463, %select_n3A_450 : vector<80x1xi1>, vector<80x1xf32>
    %gt3A_465 = arith.constant 4.000000e-01 : f32
    %gt3A_466 = vector.broadcast %gt3A_465 : f32 to vector<80x16128xf32>
    %gt3A_467 = arith.cmpf ogt, %mul3A_118, %gt3A_466 : vector<80x16128xf32>
    %convert_element_type3A_468 = arith.extui %gt3A_467 : vector<80x16128xi1> to vector<80x16128xi32>
    %convert_element_type3A_469 = arith.sitofp %convert_element_type3A_468 : vector<80x16128xi32> to vector<80x16128xf32>
    %reduce_sum3A_470 = arith.constant dense<0.000000e+00> : vector<80xf32>
    %reduce_sum3A_471 = vector.multi_reduction <add>, %convert_element_type3A_469, %reduce_sum3A_470 [1] : vector<80x16128xf32> to vector<80xf32>
    %broadcast_in_dim3A_472 = vector.shape_cast %reduce_sum3A_471 : vector<80xf32> to vector<80x1xf32>
    %le3A_473 = arith.constant 2.048000e+03 : f32
    %le3A_474 = vector.broadcast %le3A_473 : f32 to vector<80x1xf32>
    %le3A_475 = arith.cmpf ole, %broadcast_in_dim3A_472, %le3A_474 : vector<80x1xf32>
    %jit3A_476 = arith.constant 4.000000e-01 : f32
    %broadcast_in_dim3A_477 = vector.broadcast %jit3A_476 : f32 to vector<80x1xf32>
    %select_n3A_478 = arith.select %le3A_475, %broadcast_in_dim3A_477, %select_n3A_464 : vector<80x1xi1>, vector<80x1xf32>
    %gt3A_479 = arith.constant 3.800000e-01 : f32
    %gt3A_480 = vector.broadcast %gt3A_479 : f32 to vector<80x16128xf32>
    %gt3A_481 = arith.cmpf ogt, %mul3A_118, %gt3A_480 : vector<80x16128xf32>
    %convert_element_type3A_482 = arith.extui %gt3A_481 : vector<80x16128xi1> to vector<80x16128xi32>
    %convert_element_type3A_483 = arith.sitofp %convert_element_type3A_482 : vector<80x16128xi32> to vector<80x16128xf32>
    %reduce_sum3A_484 = arith.constant dense<0.000000e+00> : vector<80xf32>
    %reduce_sum3A_485 = vector.multi_reduction <add>, %convert_element_type3A_483, %reduce_sum3A_484 [1] : vector<80x16128xf32> to vector<80xf32>
    %broadcast_in_dim3A_486 = vector.shape_cast %reduce_sum3A_485 : vector<80xf32> to vector<80x1xf32>
    %le3A_487 = arith.constant 2.048000e+03 : f32
    %le3A_488 = vector.broadcast %le3A_487 : f32 to vector<80x1xf32>
    %le3A_489 = arith.cmpf ole, %broadcast_in_dim3A_486, %le3A_488 : vector<80x1xf32>
    %jit3A_490 = arith.constant 3.800000e-01 : f32
    %broadcast_in_dim3A_491 = vector.broadcast %jit3A_490 : f32 to vector<80x1xf32>
    %select_n3A_492 = arith.select %le3A_489, %broadcast_in_dim3A_491, %select_n3A_478 : vector<80x1xi1>, vector<80x1xf32>
    %gt3A_493 = arith.constant 3.600000e-01 : f32
    %gt3A_494 = vector.broadcast %gt3A_493 : f32 to vector<80x16128xf32>
    %gt3A_495 = arith.cmpf ogt, %mul3A_118, %gt3A_494 : vector<80x16128xf32>
    %convert_element_type3A_496 = arith.extui %gt3A_495 : vector<80x16128xi1> to vector<80x16128xi32>
    %convert_element_type3A_497 = arith.sitofp %convert_element_type3A_496 : vector<80x16128xi32> to vector<80x16128xf32>
    %reduce_sum3A_498 = arith.constant dense<0.000000e+00> : vector<80xf32>
    %reduce_sum3A_499 = vector.multi_reduction <add>, %convert_element_type3A_497, %reduce_sum3A_498 [1] : vector<80x16128xf32> to vector<80xf32>
    %broadcast_in_dim3A_500 = vector.shape_cast %reduce_sum3A_499 : vector<80xf32> to vector<80x1xf32>
    %le3A_501 = arith.constant 2.048000e+03 : f32
    %le3A_502 = vector.broadcast %le3A_501 : f32 to vector<80x1xf32>
    %le3A_503 = arith.cmpf ole, %broadcast_in_dim3A_500, %le3A_502 : vector<80x1xf32>
    %jit3A_504 = arith.constant 3.600000e-01 : f32
    %broadcast_in_dim3A_505 = vector.broadcast %jit3A_504 : f32 to vector<80x1xf32>
    %select_n3A_506 = arith.select %le3A_503, %broadcast_in_dim3A_505, %select_n3A_492 : vector<80x1xi1>, vector<80x1xf32>
    %gt3A_507 = arith.constant 3.400000e-01 : f32
    %gt3A_508 = vector.broadcast %gt3A_507 : f32 to vector<80x16128xf32>
    %gt3A_509 = arith.cmpf ogt, %mul3A_118, %gt3A_508 : vector<80x16128xf32>
    %convert_element_type3A_510 = arith.extui %gt3A_509 : vector<80x16128xi1> to vector<80x16128xi32>
    %convert_element_type3A_511 = arith.sitofp %convert_element_type3A_510 : vector<80x16128xi32> to vector<80x16128xf32>
    %reduce_sum3A_512 = arith.constant dense<0.000000e+00> : vector<80xf32>
    %reduce_sum3A_513 = vector.multi_reduction <add>, %convert_element_type3A_511, %reduce_sum3A_512 [1] : vector<80x16128xf32> to vector<80xf32>
    %broadcast_in_dim3A_514 = vector.shape_cast %reduce_sum3A_513 : vector<80xf32> to vector<80x1xf32>
    %le3A_515 = arith.constant 2.048000e+03 : f32
    %le3A_516 = vector.broadcast %le3A_515 : f32 to vector<80x1xf32>
    %le3A_517 = arith.cmpf ole, %broadcast_in_dim3A_514, %le3A_516 : vector<80x1xf32>
    %jit3A_518 = arith.constant 3.400000e-01 : f32
    %broadcast_in_dim3A_519 = vector.broadcast %jit3A_518 : f32 to vector<80x1xf32>
    %select_n3A_520 = arith.select %le3A_517, %broadcast_in_dim3A_519, %select_n3A_506 : vector<80x1xi1>, vector<80x1xf32>
    %gt3A_521 = arith.constant 3.200000e-01 : f32
    %gt3A_522 = vector.broadcast %gt3A_521 : f32 to vector<80x16128xf32>
    %gt3A_523 = arith.cmpf ogt, %mul3A_118, %gt3A_522 : vector<80x16128xf32>
    %convert_element_type3A_524 = arith.extui %gt3A_523 : vector<80x16128xi1> to vector<80x16128xi32>
    %convert_element_type3A_525 = arith.sitofp %convert_element_type3A_524 : vector<80x16128xi32> to vector<80x16128xf32>
    %reduce_sum3A_526 = arith.constant dense<0.000000e+00> : vector<80xf32>
    %reduce_sum3A_527 = vector.multi_reduction <add>, %convert_element_type3A_525, %reduce_sum3A_526 [1] : vector<80x16128xf32> to vector<80xf32>
    %broadcast_in_dim3A_528 = vector.shape_cast %reduce_sum3A_527 : vector<80xf32> to vector<80x1xf32>
    %le3A_529 = arith.constant 2.048000e+03 : f32
    %le3A_530 = vector.broadcast %le3A_529 : f32 to vector<80x1xf32>
    %le3A_531 = arith.cmpf ole, %broadcast_in_dim3A_528, %le3A_530 : vector<80x1xf32>
    %jit3A_532 = arith.constant 3.200000e-01 : f32
    %broadcast_in_dim3A_533 = vector.broadcast %jit3A_532 : f32 to vector<80x1xf32>
    %select_n3A_534 = arith.select %le3A_531, %broadcast_in_dim3A_533, %select_n3A_520 : vector<80x1xi1>, vector<80x1xf32>
    %gt3A_535 = arith.constant 3.000000e-01 : f32
    %gt3A_536 = vector.broadcast %gt3A_535 : f32 to vector<80x16128xf32>
    %gt3A_537 = arith.cmpf ogt, %mul3A_118, %gt3A_536 : vector<80x16128xf32>
    %convert_element_type3A_538 = arith.extui %gt3A_537 : vector<80x16128xi1> to vector<80x16128xi32>
    %convert_element_type3A_539 = arith.sitofp %convert_element_type3A_538 : vector<80x16128xi32> to vector<80x16128xf32>
    %reduce_sum3A_540 = arith.constant dense<0.000000e+00> : vector<80xf32>
    %reduce_sum3A_541 = vector.multi_reduction <add>, %convert_element_type3A_539, %reduce_sum3A_540 [1] : vector<80x16128xf32> to vector<80xf32>
    %broadcast_in_dim3A_542 = vector.shape_cast %reduce_sum3A_541 : vector<80xf32> to vector<80x1xf32>
    %le3A_543 = arith.constant 2.048000e+03 : f32
    %le3A_544 = vector.broadcast %le3A_543 : f32 to vector<80x1xf32>
    %le3A_545 = arith.cmpf ole, %broadcast_in_dim3A_542, %le3A_544 : vector<80x1xf32>
    %jit3A_546 = arith.constant 3.000000e-01 : f32
    %broadcast_in_dim3A_547 = vector.broadcast %jit3A_546 : f32 to vector<80x1xf32>
    %select_n3A_548 = arith.select %le3A_545, %broadcast_in_dim3A_547, %select_n3A_534 : vector<80x1xi1>, vector<80x1xf32>
    %gt3A_549 = vector.broadcast %select_n3A_548 : vector<80x1xf32> to vector<80x16128xf32>
    %gt3A_550 = arith.cmpf ogt, %mul3A_118, %gt3A_549 : vector<80x16128xf32>
    %jit3A_551 = arith.constant -1.000000e+30 : f32
    %broadcast_in_dim3A_552 = vector.broadcast %jit3A_551 : f32 to vector<80x16128xf32>
    %select_n3A_553 = arith.select %gt3A_550, %mul3A_118, %broadcast_in_dim3A_552 : vector<80x16128xi1>, vector<80x16128xf32>
    %swap3A_554 = arith.constant 0 : index
    %swap3A_555 = arith.constant 0 : index
    %swap3A_556 = arith.constant 0 : index
    %swap3A_557 = vector.load %arg4[%swap3A_554, %swap3A_555, %swap3A_556] : memref<1x80x16128xf32, #tpu.memory_space<vmem>>, vector<1x80x16128xf32>
    %swap3A_558 = vector.shape_cast %swap3A_557 : vector<1x80x16128xf32> to vector<80x16128xf32>
    %swap3A_559 = vector.shape_cast %select_n3A_553 : vector<80x16128xf32> to vector<1x80x16128xf32>
    tpu.vector_store %arg4[%swap3A_554, %swap3A_555, %swap3A_556], %swap3A_559 {strides = array<i32>} : memref<1x80x16128xf32, #tpu.memory_space<vmem>>, vector<1x80x16128xf32>,
    return
  }
  func.func @transform_0(%arg0: i32) -> (i32, i32, i32) {
    %c0_i32 = arith.constant 0 : i32
    %c0_i32_0 = arith.constant 0 : i32
    %c0_i32_1 = arith.constant 0 : i32
    return %arg0, %c0_i32, %c0_i32_0 : i32, i32, i32
  }
  func.func @transform_1(%arg0: i32) -> (i32, i32) {
    %c0_i32 = arith.constant 0 : i32
    %c0_i32_0 = arith.constant 0 : i32
    %c0_i32_1 = arith.constant 0 : i32
    return %c0_i32, %c0_i32_0 : i32, i32
  }
  func.func @transform_2(%arg0: i32) -> (i32, i32, i32) {
    %c0_i32 = arith.constant 0 : i32
    %c0_i32_0 = arith.constant 0 : i32
    %c0_i32_1 = arith.constant 0 : i32
    return %arg0, %c0_i32, %c0_i32_0 : i32, i32, i32
  }
  func.func @transform_3(%arg0: i32) -> (i32, i32, i32) {
    %c0_i32 = arith.constant 0 : i32
    %c0_i32_0 = arith.constant 0 : i32
    %c0_i32_1 = arith.constant 0 : i32
    return %arg0, %c0_i32, %c0_i32_0 : i32, i32, i32
  }
  func.func @transform_4(%arg0: i32) -> (i32, i32, i32) {
    %c0_i32 = arith.constant 0 : i32
    %c0_i32_0 = arith.constant 0 : i32
    %c0_i32_1 = arith.constant 0 : i32
    return %arg0, %c0_i32, %c0_i32_0 : i32, i32, i32
  }
}

module attributes {stable_mosaic.version = 14 : i64} {
  func.func @_nms_kernel(%arg0: memref<320x2048xf32, #tpu.memory_space<vmem>>, %arg1: memref<320x2048xf32, #tpu.memory_space<vmem>>, %arg2: memref<320x2048xf32, #tpu.memory_space<vmem>>, %arg3: memref<320x2048xf32, #tpu.memory_space<vmem>>, %arg4: memref<320x2048xf32, #tpu.memory_space<vmem>>, %arg5: memref<4x160x4xf32, #tpu.memory_space<vmem>>, %arg6: memref<4x160x1xf32, #tpu.memory_space<vmem>>, %arg7: memref<4x160x1xi32, #tpu.memory_space<vmem>>, %arg8: memref<320x2048xf32, #tpu.memory_space<vmem>>, %arg9: memref<320x160xf32, #tpu.memory_space<vmem>>, %arg10: memref<320x160xf32, #tpu.memory_space<vmem>>, %arg11: memref<320x160xf32, #tpu.memory_space<vmem>>, %arg12: memref<320x160xf32, #tpu.memory_space<vmem>>, %arg13: memref<320x160xf32, #tpu.memory_space<vmem>>) attributes {dimension_semantics = [], scalar_prefetch = 0 : i64, scratch_operands = 6 : i64, tpu.core_type = #tpu.core_type<tc>} {
    %get3A = arith.constant 0 : index
    %get3A_0 = arith.constant 0 : index
    %get3A_1 = vector.load %arg1[%get3A, %get3A_0] : memref<320x2048xf32, #tpu.memory_space<vmem>>, vector<320x2048xf32>
    %get3A_2 = arith.constant 0 : index
    %get3A_3 = arith.constant 0 : index
    %get3A_4 = vector.load %arg2[%get3A_2, %get3A_3] : memref<320x2048xf32, #tpu.memory_space<vmem>>, vector<320x2048xf32>
    %get3A_5 = arith.constant 0 : index
    %get3A_6 = arith.constant 0 : index
    %get3A_7 = vector.load %arg3[%get3A_5, %get3A_6] : memref<320x2048xf32, #tpu.memory_space<vmem>>, vector<320x2048xf32>
    %get3A_8 = arith.constant 0 : index
    %get3A_9 = arith.constant 0 : index
    %get3A_10 = vector.load %arg4[%get3A_8, %get3A_9] : memref<320x2048xf32, #tpu.memory_space<vmem>>, vector<320x2048xf32>
    %sub3A = arith.subf %get3A_7, %get3A_1 : vector<320x2048xf32>
    %max3A = arith.constant 0.000000e+00 : f32
    %max3A_11 = vector.broadcast %max3A : f32 to vector<320x2048xf32>
    %max3A_12 = arith.maximumf %sub3A, %max3A_11 : vector<320x2048xf32>
    %sub3A_13 = arith.subf %get3A_10, %get3A_4 : vector<320x2048xf32>
    %max3A_14 = arith.constant 0.000000e+00 : f32
    %max3A_15 = vector.broadcast %max3A_14 : f32 to vector<320x2048xf32>
    %max3A_16 = arith.maximumf %sub3A_13, %max3A_15 : vector<320x2048xf32>
    %mul3A = arith.mulf %max3A_12, %max3A_16 : vector<320x2048xf32>
    %get3A_17 = arith.constant 0 : index
    %get3A_18 = arith.constant 0 : index
    %get3A_19 = vector.load %arg0[%get3A_17, %get3A_18] : memref<320x2048xf32, #tpu.memory_space<vmem>>, vector<320x2048xf32>
    %swap3A = arith.constant 0 : index
    %swap3A_20 = arith.constant 0 : index
    %swap3A_21 = vector.load %arg8[%swap3A, %swap3A_20] : memref<320x2048xf32, #tpu.memory_space<vmem>>, vector<320x2048xf32>
    tpu.vector_store %arg8[%swap3A, %swap3A_20], %get3A_19 {strides = array<i32>} : memref<320x2048xf32, #tpu.memory_space<vmem>>, vector<320x2048xf32>,
    %broadcast_in_dim3A = arith.constant -1.000000e+30 : f32
    %broadcast_in_dim3A_22 = vector.broadcast %broadcast_in_dim3A : f32 to vector<320x160xf32>
    %swap3A_23 = arith.constant 0 : index
    %swap3A_24 = arith.constant 0 : index
    %swap3A_25 = vector.load %arg9[%swap3A_23, %swap3A_24] : memref<320x160xf32, #tpu.memory_space<vmem>>, vector<320x160xf32>
    tpu.vector_store %arg9[%swap3A_23, %swap3A_24], %broadcast_in_dim3A_22 {strides = array<i32>} : memref<320x160xf32, #tpu.memory_space<vmem>>, vector<320x160xf32>,
    %swap3A_26 = arith.constant 0 : index
    %swap3A_27 = arith.constant 0 : index
    %swap3A_28 = vector.load %arg10[%swap3A_26, %swap3A_27] : memref<320x160xf32, #tpu.memory_space<vmem>>, vector<320x160xf32>
    tpu.vector_store %arg10[%swap3A_26, %swap3A_27], %broadcast_in_dim3A_22 {strides = array<i32>} : memref<320x160xf32, #tpu.memory_space<vmem>>, vector<320x160xf32>,
    %swap3A_29 = arith.constant 0 : index
    %swap3A_30 = arith.constant 0 : index
    %swap3A_31 = vector.load %arg11[%swap3A_29, %swap3A_30] : memref<320x160xf32, #tpu.memory_space<vmem>>, vector<320x160xf32>
    tpu.vector_store %arg11[%swap3A_29, %swap3A_30], %broadcast_in_dim3A_22 {strides = array<i32>} : memref<320x160xf32, #tpu.memory_space<vmem>>, vector<320x160xf32>,
    %swap3A_32 = arith.constant 0 : index
    %swap3A_33 = arith.constant 0 : index
    %swap3A_34 = vector.load %arg12[%swap3A_32, %swap3A_33] : memref<320x160xf32, #tpu.memory_space<vmem>>, vector<320x160xf32>
    tpu.vector_store %arg12[%swap3A_32, %swap3A_33], %broadcast_in_dim3A_22 {strides = array<i32>} : memref<320x160xf32, #tpu.memory_space<vmem>>, vector<320x160xf32>,
    %swap3A_35 = arith.constant 0 : index
    %swap3A_36 = arith.constant 0 : index
    %swap3A_37 = vector.load %arg13[%swap3A_35, %swap3A_36] : memref<320x160xf32, #tpu.memory_space<vmem>>, vector<320x160xf32>
    tpu.vector_store %arg13[%swap3A_35, %swap3A_36], %broadcast_in_dim3A_22 {strides = array<i32>} : memref<320x160xf32, #tpu.memory_space<vmem>>, vector<320x160xf32>,
    %iota3A = tpu.iota {dimensions = array<i32: 1>} : vector<320x2048xi32>
    %iota3A_38 = tpu.iota {dimensions = array<i32: 1>} : vector<320x160xi32>
    %scan3A = arith.constant 0 : i32
    %scan3A_39 = arith.constant 150 : i32
    %scan3A_40 = arith.addi %scan3A, %scan3A_39 : i32
    %scan3A_41 = arith.constant 1 : i32
    scf.for %scan3A_54 = %scan3A to %scan3A_40 step %scan3A_41  : i32 {
      %get3A_55 = arith.constant 0 : index
      %get3A_56 = arith.constant 0 : index
      %get3A_57 = vector.load %arg8[%get3A_55, %get3A_56] : memref<320x2048xf32, #tpu.memory_space<vmem>>, vector<320x2048xf32>
      %reduce_max3A = arith.constant dense<0xFF800000> : vector<320xf32>
      %reduce_max3A_58 = vector.multi_reduction <maximumf>, %get3A_57, %reduce_max3A [1] : vector<320x2048xf32> to vector<320xf32>
      %broadcast_in_dim3A_59 = vector.shape_cast %reduce_max3A_58 : vector<320xf32> to vector<320x1xf32>
      %eq3A = vector.broadcast %broadcast_in_dim3A_59 : vector<320x1xf32> to vector<320x2048xf32>
      %eq3A_60 = arith.cmpf oeq, %get3A_57, %eq3A : vector<320x2048xf32>
      %jit3A = arith.constant 2048 : i32
      %broadcast_in_dim3A_61 = vector.broadcast %jit3A : i32 to vector<320x2048xi32>
      %select_n3A = arith.select %eq3A_60, %iota3A, %broadcast_in_dim3A_61 : vector<320x2048xi1>, vector<320x2048xi32>
      %reduce_min3A = arith.constant dense<2147483647> : vector<320xi32>
      %reduce_min3A_62 = vector.multi_reduction <minsi>, %select_n3A, %reduce_min3A [1] : vector<320x2048xi32> to vector<320xi32>
      %broadcast_in_dim3A_63 = vector.shape_cast %reduce_min3A_62 : vector<320xi32> to vector<320x1xi32>
      %eq3A_64 = vector.broadcast %broadcast_in_dim3A_63 : vector<320x1xi32> to vector<320x2048xi32>
      %eq3A_65 = arith.cmpi eq, %iota3A, %eq3A_64 : vector<320x2048xi32>
      %jit3A_66 = arith.constant -3.000000e+38 : f32
      %broadcast_in_dim3A_67 = vector.broadcast %jit3A_66 : f32 to vector<320x2048xf32>
      %select_n3A_68 = arith.select %eq3A_65, %get3A_1, %broadcast_in_dim3A_67 : vector<320x2048xi1>, vector<320x2048xf32>
      %reduce_max3A_69 = arith.constant dense<0xFF800000> : vector<320xf32>
      %reduce_max3A_70 = vector.multi_reduction <maximumf>, %select_n3A_68, %reduce_max3A_69 [1] : vector<320x2048xf32> to vector<320xf32>
      %broadcast_in_dim3A_71 = vector.shape_cast %reduce_max3A_70 : vector<320xf32> to vector<320x1xf32>
      %jit3A_72 = arith.constant -3.000000e+38 : f32
      %broadcast_in_dim3A_73 = vector.broadcast %jit3A_72 : f32 to vector<320x2048xf32>
      %select_n3A_74 = arith.select %eq3A_65, %get3A_4, %broadcast_in_dim3A_73 : vector<320x2048xi1>, vector<320x2048xf32>
      %reduce_max3A_75 = arith.constant dense<0xFF800000> : vector<320xf32>
      %reduce_max3A_76 = vector.multi_reduction <maximumf>, %select_n3A_74, %reduce_max3A_75 [1] : vector<320x2048xf32> to vector<320xf32>
      %broadcast_in_dim3A_77 = vector.shape_cast %reduce_max3A_76 : vector<320xf32> to vector<320x1xf32>
      %jit3A_78 = arith.constant -3.000000e+38 : f32
      %broadcast_in_dim3A_79 = vector.broadcast %jit3A_78 : f32 to vector<320x2048xf32>
      %select_n3A_80 = arith.select %eq3A_65, %get3A_7, %broadcast_in_dim3A_79 : vector<320x2048xi1>, vector<320x2048xf32>
      %reduce_max3A_81 = arith.constant dense<0xFF800000> : vector<320xf32>
      %reduce_max3A_82 = vector.multi_reduction <maximumf>, %select_n3A_80, %reduce_max3A_81 [1] : vector<320x2048xf32> to vector<320xf32>
      %broadcast_in_dim3A_83 = vector.shape_cast %reduce_max3A_82 : vector<320xf32> to vector<320x1xf32>
      %jit3A_84 = arith.constant -3.000000e+38 : f32
      %broadcast_in_dim3A_85 = vector.broadcast %jit3A_84 : f32 to vector<320x2048xf32>
      %select_n3A_86 = arith.select %eq3A_65, %get3A_10, %broadcast_in_dim3A_85 : vector<320x2048xi1>, vector<320x2048xf32>
      %reduce_max3A_87 = arith.constant dense<0xFF800000> : vector<320xf32>
      %reduce_max3A_88 = vector.multi_reduction <maximumf>, %select_n3A_86, %reduce_max3A_87 [1] : vector<320x2048xf32> to vector<320xf32>
      %broadcast_in_dim3A_89 = vector.shape_cast %reduce_max3A_88 : vector<320xf32> to vector<320x1xf32>
      %sub3A_90 = arith.subf %broadcast_in_dim3A_83, %broadcast_in_dim3A_71 : vector<320x1xf32>
      %max3A_91 = arith.constant 0.000000e+00 : f32
      %max3A_92 = vector.broadcast %max3A_91 : f32 to vector<320x1xf32>
      %max3A_93 = arith.maximumf %sub3A_90, %max3A_92 : vector<320x1xf32>
      %sub3A_94 = arith.subf %broadcast_in_dim3A_89, %broadcast_in_dim3A_77 : vector<320x1xf32>
      %max3A_95 = arith.constant 0.000000e+00 : f32
      %max3A_96 = vector.broadcast %max3A_95 : f32 to vector<320x1xf32>
      %max3A_97 = arith.maximumf %sub3A_94, %max3A_96 : vector<320x1xf32>
      %mul3A_98 = arith.mulf %max3A_93, %max3A_97 : vector<320x1xf32>
      %max3A_99 = vector.broadcast %broadcast_in_dim3A_71 : vector<320x1xf32> to vector<320x2048xf32>
      %max3A_100 = arith.maximumf %max3A_99, %get3A_1 : vector<320x2048xf32>
      %max3A_101 = vector.broadcast %broadcast_in_dim3A_77 : vector<320x1xf32> to vector<320x2048xf32>
      %max3A_102 = arith.maximumf %max3A_101, %get3A_4 : vector<320x2048xf32>
      %min3A = vector.broadcast %broadcast_in_dim3A_83 : vector<320x1xf32> to vector<320x2048xf32>
      %min3A_103 = arith.minimumf %min3A, %get3A_7 : vector<320x2048xf32>
      %min3A_104 = vector.broadcast %broadcast_in_dim3A_89 : vector<320x1xf32> to vector<320x2048xf32>
      %min3A_105 = arith.minimumf %min3A_104, %get3A_10 : vector<320x2048xf32>
      %sub3A_106 = arith.subf %min3A_103, %max3A_100 : vector<320x2048xf32>
      %max3A_107 = arith.constant 0.000000e+00 : f32
      %max3A_108 = vector.broadcast %max3A_107 : f32 to vector<320x2048xf32>
      %max3A_109 = arith.maximumf %sub3A_106, %max3A_108 : vector<320x2048xf32>
      %sub3A_110 = arith.subf %min3A_105, %max3A_102 : vector<320x2048xf32>
      %max3A_111 = arith.constant 0.000000e+00 : f32
      %max3A_112 = vector.broadcast %max3A_111 : f32 to vector<320x2048xf32>
      %max3A_113 = arith.maximumf %sub3A_110, %max3A_112 : vector<320x2048xf32>
      %mul3A_114 = arith.mulf %max3A_109, %max3A_113 : vector<320x2048xf32>
      %add3A_115 = vector.broadcast %mul3A_98 : vector<320x1xf32> to vector<320x2048xf32>
      %add3A_116 = arith.addf %add3A_115, %mul3A : vector<320x2048xf32>
      %sub3A_117 = arith.subf %add3A_116, %mul3A_114 : vector<320x2048xf32>
      %gt3A = arith.constant 0.000000e+00 : f32
      %gt3A_118 = vector.broadcast %gt3A : f32 to vector<320x2048xf32>
      %gt3A_119 = arith.cmpf ogt, %sub3A_117, %gt3A_118 : vector<320x2048xf32>
      %max3A_120 = arith.constant 9.99999996E-13 : f32
      %max3A_121 = vector.broadcast %max3A_120 : f32 to vector<320x2048xf32>
      %max3A_122 = arith.maximumf %sub3A_117, %max3A_121 : vector<320x2048xf32>
      %div3A = arith.divf %mul3A_114, %max3A_122 : vector<320x2048xf32>
      %jit3A_123 = arith.constant 0.000000e+00 : f32
      %broadcast_in_dim3A_124 = vector.broadcast %jit3A_123 : f32 to vector<320x2048xf32>
      %select_n3A_125 = arith.select %gt3A_119, %div3A, %broadcast_in_dim3A_124 : vector<320x2048xi1>, vector<320x2048xf32>
      %gt3A_126 = arith.constant 1.000000e-01 : f32
      %gt3A_127 = vector.broadcast %gt3A_126 : f32 to vector<320x2048xf32>
      %gt3A_128 = arith.cmpf ogt, %select_n3A_125, %gt3A_127 : vector<320x2048xf32>
      %or3A = arith.ori %gt3A_128, %eq3A_65 : vector<320x2048xi1>
      %jit3A_129 = arith.constant -1.000000e+30 : f32
      %broadcast_in_dim3A_130 = vector.broadcast %jit3A_129 : f32 to vector<320x2048xf32>
      %select_n3A_131 = arith.select %or3A, %broadcast_in_dim3A_130, %get3A_57 : vector<320x2048xi1>, vector<320x2048xf32>
      %swap3A_132 = arith.constant 0 : index
      %swap3A_133 = arith.constant 0 : index
      %swap3A_134 = vector.load %arg8[%swap3A_132, %swap3A_133] : memref<320x2048xf32, #tpu.memory_space<vmem>>, vector<320x2048xf32>
      tpu.vector_store %arg8[%swap3A_132, %swap3A_133], %select_n3A_131 {strides = array<i32>} : memref<320x2048xf32, #tpu.memory_space<vmem>>, vector<320x2048xf32>,
      %eq3A_135 = vector.broadcast %scan3A_54 : i32 to vector<320x160xi32>
      %eq3A_136 = arith.cmpi eq, %iota3A_38, %eq3A_135 : vector<320x160xi32>
      %get3A_137 = arith.constant 0 : index
      %get3A_138 = arith.constant 0 : index
      %get3A_139 = vector.load %arg9[%get3A_137, %get3A_138] : memref<320x160xf32, #tpu.memory_space<vmem>>, vector<320x160xf32>
      %broadcast_in_dim3A_140 = vector.shape_cast %broadcast_in_dim3A_59 : vector<320x1xf32> to vector<320x1xf32>
      %broadcast_in_dim3A_141 = vector.broadcast %broadcast_in_dim3A_140 : vector<320x1xf32> to vector<320x160xf32>
      %select_n3A_142 = arith.select %eq3A_136, %broadcast_in_dim3A_141, %get3A_139 : vector<320x160xi1>, vector<320x160xf32>
      %swap3A_143 = arith.constant 0 : index
      %swap3A_144 = arith.constant 0 : index
      %swap3A_145 = vector.load %arg9[%swap3A_143, %swap3A_144] : memref<320x160xf32, #tpu.memory_space<vmem>>, vector<320x160xf32>
      tpu.vector_store %arg9[%swap3A_143, %swap3A_144], %select_n3A_142 {strides = array<i32>} : memref<320x160xf32, #tpu.memory_space<vmem>>, vector<320x160xf32>,
      %get3A_146 = arith.constant 0 : index
      %get3A_147 = arith.constant 0 : index
      %get3A_148 = vector.load %arg10[%get3A_146, %get3A_147] : memref<320x160xf32, #tpu.memory_space<vmem>>, vector<320x160xf32>
      %broadcast_in_dim3A_149 = vector.shape_cast %broadcast_in_dim3A_71 : vector<320x1xf32> to vector<320x1xf32>
      %broadcast_in_dim3A_150 = vector.broadcast %broadcast_in_dim3A_149 : vector<320x1xf32> to vector<320x160xf32>
      %select_n3A_151 = arith.select %eq3A_136, %broadcast_in_dim3A_150, %get3A_148 : vector<320x160xi1>, vector<320x160xf32>
      %swap3A_152 = arith.constant 0 : index
      %swap3A_153 = arith.constant 0 : index
      %swap3A_154 = vector.load %arg10[%swap3A_152, %swap3A_153] : memref<320x160xf32, #tpu.memory_space<vmem>>, vector<320x160xf32>
      tpu.vector_store %arg10[%swap3A_152, %swap3A_153], %select_n3A_151 {strides = array<i32>} : memref<320x160xf32, #tpu.memory_space<vmem>>, vector<320x160xf32>,
      %get3A_155 = arith.constant 0 : index
      %get3A_156 = arith.constant 0 : index
      %get3A_157 = vector.load %arg11[%get3A_155, %get3A_156] : memref<320x160xf32, #tpu.memory_space<vmem>>, vector<320x160xf32>
      %broadcast_in_dim3A_158 = vector.shape_cast %broadcast_in_dim3A_77 : vector<320x1xf32> to vector<320x1xf32>
      %broadcast_in_dim3A_159 = vector.broadcast %broadcast_in_dim3A_158 : vector<320x1xf32> to vector<320x160xf32>
      %select_n3A_160 = arith.select %eq3A_136, %broadcast_in_dim3A_159, %get3A_157 : vector<320x160xi1>, vector<320x160xf32>
      %swap3A_161 = arith.constant 0 : index
      %swap3A_162 = arith.constant 0 : index
      %swap3A_163 = vector.load %arg11[%swap3A_161, %swap3A_162] : memref<320x160xf32, #tpu.memory_space<vmem>>, vector<320x160xf32>
      tpu.vector_store %arg11[%swap3A_161, %swap3A_162], %select_n3A_160 {strides = array<i32>} : memref<320x160xf32, #tpu.memory_space<vmem>>, vector<320x160xf32>,
      %get3A_164 = arith.constant 0 : index
      %get3A_165 = arith.constant 0 : index
      %get3A_166 = vector.load %arg12[%get3A_164, %get3A_165] : memref<320x160xf32, #tpu.memory_space<vmem>>, vector<320x160xf32>
      %broadcast_in_dim3A_167 = vector.shape_cast %broadcast_in_dim3A_83 : vector<320x1xf32> to vector<320x1xf32>
      %broadcast_in_dim3A_168 = vector.broadcast %broadcast_in_dim3A_167 : vector<320x1xf32> to vector<320x160xf32>
      %select_n3A_169 = arith.select %eq3A_136, %broadcast_in_dim3A_168, %get3A_166 : vector<320x160xi1>, vector<320x160xf32>
      %swap3A_170 = arith.constant 0 : index
      %swap3A_171 = arith.constant 0 : index
      %swap3A_172 = vector.load %arg12[%swap3A_170, %swap3A_171] : memref<320x160xf32, #tpu.memory_space<vmem>>, vector<320x160xf32>
      tpu.vector_store %arg12[%swap3A_170, %swap3A_171], %select_n3A_169 {strides = array<i32>} : memref<320x160xf32, #tpu.memory_space<vmem>>, vector<320x160xf32>,
      %get3A_173 = arith.constant 0 : index
      %get3A_174 = arith.constant 0 : index
      %get3A_175 = vector.load %arg13[%get3A_173, %get3A_174] : memref<320x160xf32, #tpu.memory_space<vmem>>, vector<320x160xf32>
      %broadcast_in_dim3A_176 = vector.shape_cast %broadcast_in_dim3A_89 : vector<320x1xf32> to vector<320x1xf32>
      %broadcast_in_dim3A_177 = vector.broadcast %broadcast_in_dim3A_176 : vector<320x1xf32> to vector<320x160xf32>
      %select_n3A_178 = arith.select %eq3A_136, %broadcast_in_dim3A_177, %get3A_175 : vector<320x160xi1>, vector<320x160xf32>
      %swap3A_179 = arith.constant 0 : index
      %swap3A_180 = arith.constant 0 : index
      %swap3A_181 = vector.load %arg13[%swap3A_179, %swap3A_180] : memref<320x160xf32, #tpu.memory_space<vmem>>, vector<320x160xf32>
      tpu.vector_store %arg13[%swap3A_179, %swap3A_180], %select_n3A_178 {strides = array<i32>} : memref<320x160xf32, #tpu.memory_space<vmem>>, vector<320x160xf32>,
    }
    %scan3A_42 = arith.constant 150 : i32
    %iota3A_43 = tpu.iota {dimensions = array<i32: 1>} : vector<4x80x160xi32>
    %mul3A_44 = arith.constant 160 : i32
    %mul3A_45 = vector.broadcast %mul3A_44 : i32 to vector<4x80x160xi32>
    %mul3A_46 = arith.muli %iota3A_43, %mul3A_45 : vector<4x80x160xi32>
    %iota3A_47 = tpu.iota {dimensions = array<i32: 2>} : vector<4x80x160xi32>
    %add3A = arith.addi %mul3A_46, %iota3A_47 : vector<4x80x160xi32>
    %scan3A_48 = arith.constant 12800 : i32
    %scan3A_49 = arith.constant 0 : i32
    %scan3A_50 = arith.constant 150 : i32
    %scan3A_51 = arith.addi %scan3A_49, %scan3A_50 : i32
    %scan3A_52 = arith.constant 1 : i32
    scf.for %scan3A_54 = %scan3A_49 to %scan3A_51 step %scan3A_52  : i32 {
      %get3A_55 = arith.constant 0 : index
      %get3A_56 = arith.constant 0 : index
      %get3A_57 = vector.load %arg9[%get3A_55, %get3A_56] : memref<320x160xf32, #tpu.memory_space<vmem>>, vector<320x160xf32>
      %reshape3A = vector.shape_cast %get3A_57 : vector<320x160xf32> to vector<4x80x160xf32>
      %reduce_max3A = arith.constant dense<0xFF800000> : vector<4xf32>
      %reduce_max3A_58 = vector.multi_reduction <maximumf>, %reshape3A, %reduce_max3A [1, 2] : vector<4x80x160xf32> to vector<4xf32>
      %broadcast_in_dim3A_59 = vector.shape_cast %reduce_max3A_58 : vector<4xf32> to vector<4x1x1xf32>
      %gt3A = arith.constant -1.000000e+29 : f32
      %gt3A_60 = vector.broadcast %gt3A : f32 to vector<4x1x1xf32>
      %gt3A_61 = arith.cmpf ogt, %broadcast_in_dim3A_59, %gt3A_60 : vector<4x1x1xf32>
      %eq3A = vector.broadcast %broadcast_in_dim3A_59 : vector<4x1x1xf32> to vector<4x80x160xf32>
      %eq3A_62 = arith.cmpf oeq, %reshape3A, %eq3A : vector<4x80x160xf32>
      %broadcast_in_dim3A_63 = vector.broadcast %scan3A_48 : i32 to vector<4x80x160xi32>
      %select_n3A = arith.select %eq3A_62, %add3A, %broadcast_in_dim3A_63 : vector<4x80x160xi1>, vector<4x80x160xi32>
      %reduce_min3A = arith.constant dense<2147483647> : vector<4xi32>
      %reduce_min3A_64 = vector.multi_reduction <minsi>, %select_n3A, %reduce_min3A [1, 2] : vector<4x80x160xi32> to vector<4xi32>
      %broadcast_in_dim3A_65 = vector.shape_cast %reduce_min3A_64 : vector<4xi32> to vector<4x1x1xi32>
      %eq3A_66 = vector.broadcast %broadcast_in_dim3A_65 : vector<4x1x1xi32> to vector<4x80x160xi32>
      %eq3A_67 = arith.cmpi eq, %add3A, %eq3A_66 : vector<4x80x160xi32>
      %get3A_68 = arith.constant 0 : index
      %get3A_69 = arith.constant 0 : index
      %get3A_70 = vector.load %arg10[%get3A_68, %get3A_69] : memref<320x160xf32, #tpu.memory_space<vmem>>, vector<320x160xf32>
      %reshape3A_71 = vector.shape_cast %get3A_70 : vector<320x160xf32> to vector<4x80x160xf32>
      %jit3A = arith.constant -3.000000e+38 : f32
      %broadcast_in_dim3A_72 = vector.broadcast %jit3A : f32 to vector<4x80x160xf32>
      %select_n3A_73 = arith.select %eq3A_67, %reshape3A_71, %broadcast_in_dim3A_72 : vector<4x80x160xi1>, vector<4x80x160xf32>
      %reduce_max3A_74 = arith.constant dense<0xFF800000> : vector<4xf32>
      %reduce_max3A_75 = vector.multi_reduction <maximumf>, %select_n3A_73, %reduce_max3A_74 [1, 2] : vector<4x80x160xf32> to vector<4xf32>
      %broadcast_in_dim3A_76 = vector.shape_cast %reduce_max3A_75 : vector<4xf32> to vector<4x1x1xf32>
      %get3A_77 = arith.constant 0 : index
      %get3A_78 = arith.constant 0 : index
      %get3A_79 = vector.load %arg11[%get3A_77, %get3A_78] : memref<320x160xf32, #tpu.memory_space<vmem>>, vector<320x160xf32>
      %reshape3A_80 = vector.shape_cast %get3A_79 : vector<320x160xf32> to vector<4x80x160xf32>
      %jit3A_81 = arith.constant -3.000000e+38 : f32
      %broadcast_in_dim3A_82 = vector.broadcast %jit3A_81 : f32 to vector<4x80x160xf32>
      %select_n3A_83 = arith.select %eq3A_67, %reshape3A_80, %broadcast_in_dim3A_82 : vector<4x80x160xi1>, vector<4x80x160xf32>
      %reduce_max3A_84 = arith.constant dense<0xFF800000> : vector<4xf32>
      %reduce_max3A_85 = vector.multi_reduction <maximumf>, %select_n3A_83, %reduce_max3A_84 [1, 2] : vector<4x80x160xf32> to vector<4xf32>
      %broadcast_in_dim3A_86 = vector.shape_cast %reduce_max3A_85 : vector<4xf32> to vector<4x1x1xf32>
      %get3A_87 = arith.constant 0 : index
      %get3A_88 = arith.constant 0 : index
      %get3A_89 = vector.load %arg12[%get3A_87, %get3A_88] : memref<320x160xf32, #tpu.memory_space<vmem>>, vector<320x160xf32>
      %reshape3A_90 = vector.shape_cast %get3A_89 : vector<320x160xf32> to vector<4x80x160xf32>
      %jit3A_91 = arith.constant -3.000000e+38 : f32
      %broadcast_in_dim3A_92 = vector.broadcast %jit3A_91 : f32 to vector<4x80x160xf32>
      %select_n3A_93 = arith.select %eq3A_67, %reshape3A_90, %broadcast_in_dim3A_92 : vector<4x80x160xi1>, vector<4x80x160xf32>
      %reduce_max3A_94 = arith.constant dense<0xFF800000> : vector<4xf32>
      %reduce_max3A_95 = vector.multi_reduction <maximumf>, %select_n3A_93, %reduce_max3A_94 [1, 2] : vector<4x80x160xf32> to vector<4xf32>
      %broadcast_in_dim3A_96 = vector.shape_cast %reduce_max3A_95 : vector<4xf32> to vector<4x1x1xf32>
      %get3A_97 = arith.constant 0 : index
      %get3A_98 = arith.constant 0 : index
      %get3A_99 = vector.load %arg13[%get3A_97, %get3A_98] : memref<320x160xf32, #tpu.memory_space<vmem>>, vector<320x160xf32>
      %reshape3A_100 = vector.shape_cast %get3A_99 : vector<320x160xf32> to vector<4x80x160xf32>
      %jit3A_101 = arith.constant -3.000000e+38 : f32
      %broadcast_in_dim3A_102 = vector.broadcast %jit3A_101 : f32 to vector<4x80x160xf32>
      %select_n3A_103 = arith.select %eq3A_67, %reshape3A_100, %broadcast_in_dim3A_102 : vector<4x80x160xi1>, vector<4x80x160xf32>
      %reduce_max3A_104 = arith.constant dense<0xFF800000> : vector<4xf32>
      %reduce_max3A_105 = vector.multi_reduction <maximumf>, %select_n3A_103, %reduce_max3A_104 [1, 2] : vector<4x80x160xf32> to vector<4xf32>
      %broadcast_in_dim3A_106 = vector.shape_cast %reduce_max3A_105 : vector<4xf32> to vector<4x1x1xf32>
      %jit3A_107 = arith.constant 160 : i32
      %div3A = vector.broadcast %jit3A_107 : i32 to vector<4x1x1xi32>
      %div3A_108 = arith.divsi %broadcast_in_dim3A_65, %div3A : vector<4x1x1xi32>
      %sign3A = arith.constant 0 : i32
      %sign3A_109 = vector.broadcast %sign3A : i32 to vector<4x1x1xi32>
      %sign3A_110 = arith.cmpi sgt, %broadcast_in_dim3A_65, %sign3A_109 : vector<4x1x1xi32>
      %sign3A_111 = arith.extui %sign3A_110 : vector<4x1x1xi1> to vector<4x1x1xi32>
      %sign3A_112 = arith.constant 0 : i32
      %sign3A_113 = vector.broadcast %sign3A_112 : i32 to vector<4x1x1xi32>
      %sign3A_114 = arith.cmpi slt, %broadcast_in_dim3A_65, %sign3A_113 : vector<4x1x1xi32>
      %sign3A_115 = arith.extui %sign3A_114 : vector<4x1x1xi1> to vector<4x1x1xi32>
      %sign3A_116 = arith.subi %sign3A_111, %sign3A_115 : vector<4x1x1xi32>
      %sign3A_117 = arith.constant 0 : i32
      %sign3A_118 = arith.cmpi sgt, %jit3A_107, %sign3A_117 : i32
      %sign3A_119 = arith.extui %sign3A_118 : i1 to i32
      %sign3A_120 = arith.constant 0 : i32
      %sign3A_121 = arith.cmpi slt, %jit3A_107, %sign3A_120 : i32
      %sign3A_122 = arith.extui %sign3A_121 : i1 to i32
      %sign3A_123 = arith.subi %sign3A_119, %sign3A_122 : i32
      %ne3A = vector.broadcast %sign3A_123 : i32 to vector<4x1x1xi32>
      %ne3A_124 = arith.cmpi ne, %sign3A_116, %ne3A : vector<4x1x1xi32>
      %rem3A = vector.broadcast %jit3A_107 : i32 to vector<4x1x1xi32>
      %rem3A_125 = arith.remsi %broadcast_in_dim3A_65, %rem3A : vector<4x1x1xi32>
      %ne3A_126 = arith.constant 0 : i32
      %ne3A_127 = vector.broadcast %ne3A_126 : i32 to vector<4x1x1xi32>
      %ne3A_128 = arith.cmpi ne, %rem3A_125, %ne3A_127 : vector<4x1x1xi32>
      %and3A = arith.andi %ne3A_124, %ne3A_128 : vector<4x1x1xi1>
      %sub3A_129 = arith.constant 1 : i32
      %sub3A_130 = vector.broadcast %sub3A_129 : i32 to vector<4x1x1xi32>
      %sub3A_131 = arith.subi %div3A_108, %sub3A_130 : vector<4x1x1xi32>
      %select_n3A_132 = arith.select %and3A, %sub3A_131, %div3A_108 : vector<4x1x1xi1>, vector<4x1x1xi32>
      %concatenate3A = tpu.concatenate %broadcast_in_dim3A_76, %broadcast_in_dim3A_86, %broadcast_in_dim3A_96, %broadcast_in_dim3A_106 in 2 : vector<4x1x1xf32>, vector<4x1x1xf32>, vector<4x1x1xf32>, vector<4x1x1xf32> -> vector<4x1x4xf32>
      %jit3A_133 = arith.constant -1.000000e+00 : f32
      %broadcast_in_dim3A_134 = vector.shape_cast %gt3A_61 : vector<4x1x1xi1> to vector<4x1x1xi1>
      %broadcast_in_dim3A_135 = vector.broadcast %broadcast_in_dim3A_134 : vector<4x1x1xi1> to vector<4x1x4xi1>
      %broadcast_in_dim3A_136 = vector.broadcast %jit3A_133 : f32 to vector<4x1x4xf32>
      %select_n3A_137 = arith.select %broadcast_in_dim3A_135, %concatenate3A, %broadcast_in_dim3A_136 : vector<4x1x4xi1>, vector<4x1x4xf32>
      %swap3A_138 = arith.constant 0 : index
      %swap3A_139 = arith.index_cast %scan3A_54 : i32 to index
      %swap3A_140 = arith.constant 0 : index
      %swap3A_141 = vector.load %arg5[%swap3A_138, %swap3A_139, %swap3A_140] : memref<4x160x4xf32, #tpu.memory_space<vmem>>, vector<4x1x4xf32>
      tpu.vector_store %arg5[%swap3A_138, %swap3A_139, %swap3A_140], %select_n3A_137 {strides = array<i32>} : memref<4x160x4xf32, #tpu.memory_space<vmem>>, vector<4x1x4xf32>,
      %jit3A_142 = arith.constant -1.000000e+00 : f32
      %broadcast_in_dim3A_143 = vector.broadcast %jit3A_142 : f32 to vector<4x1x1xf32>
      %select_n3A_144 = arith.select %gt3A_61, %broadcast_in_dim3A_59, %broadcast_in_dim3A_143 : vector<4x1x1xi1>, vector<4x1x1xf32>
      %swap3A_145 = arith.constant 0 : index
      %swap3A_146 = arith.index_cast %scan3A_54 : i32 to index
      %swap3A_147 = arith.constant 0 : index
      %swap3A_148 = vector.load %arg6[%swap3A_145, %swap3A_146, %swap3A_147] : memref<4x160x1xf32, #tpu.memory_space<vmem>>, vector<4x1x1xf32>
      tpu.vector_store %arg6[%swap3A_145, %swap3A_146, %swap3A_147], %select_n3A_144 {strides = array<i32>} : memref<4x160x1xf32, #tpu.memory_space<vmem>>, vector<4x1x1xf32>,
      %jit3A_149 = arith.constant -1 : i32
      %broadcast_in_dim3A_150 = vector.broadcast %jit3A_149 : i32 to vector<4x1x1xi32>
      %select_n3A_151 = arith.select %gt3A_61, %select_n3A_132, %broadcast_in_dim3A_150 : vector<4x1x1xi1>, vector<4x1x1xi32>
      %swap3A_152 = arith.constant 0 : index
      %swap3A_153 = arith.index_cast %scan3A_54 : i32 to index
      %swap3A_154 = arith.constant 0 : index
      %swap3A_155 = vector.load %arg7[%swap3A_152, %swap3A_153, %swap3A_154] : memref<4x160x1xi32, #tpu.memory_space<vmem>>, vector<4x1x1xi32>
      tpu.vector_store %arg7[%swap3A_152, %swap3A_153, %swap3A_154], %select_n3A_151 {strides = array<i32>} : memref<4x160x1xi32, #tpu.memory_space<vmem>>, vector<4x1x1xi32>,
      %jit3A_156 = arith.constant -1.000000e+30 : f32
      %broadcast_in_dim3A_157 = vector.broadcast %jit3A_156 : f32 to vector<4x80x160xf32>
      %select_n3A_158 = arith.select %eq3A_67, %broadcast_in_dim3A_157, %reshape3A : vector<4x80x160xi1>, vector<4x80x160xf32>
      %reshape3A_159 = vector.shape_cast %select_n3A_158 : vector<4x80x160xf32> to vector<320x160xf32>
      %swap3A_160 = arith.constant 0 : index
      %swap3A_161 = arith.constant 0 : index
      %swap3A_162 = vector.load %arg9[%swap3A_160, %swap3A_161] : memref<320x160xf32, #tpu.memory_space<vmem>>, vector<320x160xf32>
      tpu.vector_store %arg9[%swap3A_160, %swap3A_161], %reshape3A_159 {strides = array<i32>} : memref<320x160xf32, #tpu.memory_space<vmem>>, vector<320x160xf32>,
    }
    %scan3A_53 = arith.constant 150 : i32
    return
  }
}

</mosaic_0001>

<sc_bundles>
// kernel: _predict.5.cloned.1.call-start
scs
__scs_entry_jumppad:
0x0: {  	(pc) =	sbr.rel $0x88, $3  }
0x1: {  	(tag) =	ssettag $0x0;
	lr =	simm.s32 $0x1  }
0x2: {  	[smem:$0x3F9D] =	sst lr;
	_ =	strace $0xD0000000  }
0x3: {  	_ = 	snop  }
0x4: {  	_ = 	snop  }
0x5: {  	_ = 	snop  }
0x6: {  	_ = 	snop  }
0x7: {  	_ = 	snop  }
__scs_overlays_trampoline_lowered:
0x8: {  	[smem:$0x3FAC] =	sst s0  }
0x9: {  	[smem:$0x3FAD] =	sst s1  }
0xa: {  	[smem:$0x3FAE] =	sst s2  }
0xb: {  	[smem:$0x3FAF] =	sst s3  }
0xc: {  	[smem:$0x3FB0] =	sst s4  }
0xd: {  	[smem:$0x3FB1] =	sst s5  }
0xe: {  	[smem:$0x3FB2] =	sst s6  }
0xf: {  	[smem:$0x3FB3] =	sst s7  }
0x10: {  	[smem:$0x3FB4] =	sst s8  }
0x11: {  	[smem:$0x3FB5] =	sst s9;
	s0 =	simm.s32 @!p0 $0x0  }
0x12: {  	s1 =	sld [smem:$0x3F9B];
	s0 =	simm.s32 @p0 $0x1  }
0x13: {  	[smem:$0x3FB6] =	sst s0;
	s0 =	simm.s32 @!p1 $0x0  }
0x14: {  	s2 =	sld [smem:$0x3F9A];
	s0 =	simm.s32 @p1 $0x1  }
0x15: {  	[smem:$0x3FB7] =	sst s0;
	s0 =	simm.s32 @!p2 $0x0  }
0x16: {  	s3 =	sld [smem:$0x3FDB];
	s0 =	simm.s32 @p2 $0x1  }
0x17: {  	s4 =	simm.s32 $0x1BF5;
	[smem:$0x3FB9] =	sst s0  }
0x18: {  	s0 =	sld [smem:$0x3F9C];
	_ =	swait.ge [sflag:s4], $0x0  }
0x19: {  	s7 =	sld [smem:$0x3F9D]  }
0x1a: {  	s8 =	sadd.s32 $0xFFFFE003, lr  }
0x1b: {  	s9 =	sadd.s32 $0xFFFFFEF7, lr;
	s5 =	simm.s32 $0xFFFFFFFF;
	p2 =	slt.u32 s8, $0xFFFFF086  }
0x1c: {  	p1 =	slt.u32 s9, $0xF7A;
	s5 =	simm.s32 @!p2 $0x0  }
0x1d: {  	s5 =	simm.s32 @p1 $0x1;
	p0 =	seq.s32 s7, s2  }
0x1e: {  	s7 =	smul.u32 @!p0 $0xF7A, s2;
	p2 =	seq.s32 @!p0 s5, $0x0  }
0x1f: {  	s9 =	smul.u32 $0xF7A, s1;
	s8 =	simm.s32 @!p0 $0x1BF5;
	p2 =	por !p2, p0  }
0x20: {  	[sflag:s8] =	ssyncset.s32 @!p0 $0xFFFFF086;
	s6 =	sadd.s32 @!p0 s3, s7;
	s7 =	simm.s32 @!p0 $0x108  }
0x21: {  	s3 =	sadd.s32 s3, s9;
	s6 =	sadd.s32 @!p0 $0x88, s6;
	s7 =	simm.s32 @p2 $0x1082  }
0x22: {  	[simem:s7], [sflag:s8] =	dma.local @!p0 [hbm:s6], $0xF7A  }
0x23: {  	s9 =	sor.u32 $0xD0000000, s2;
	s6 =	simm.s32 $0x108;
	_ =	swait.ge @!p0 [sflag:s8], $0x0  }
0x24: {  	s3 =	sadd.s32 $0x88, s3;
	s6 =	simm.s32 @!p1 $0x1082;
	[sflag:s4] =	ssyncset.s32 $0xFFFFF086  }
0x25: {  	[simem:s6], [sflag:s4] =	dma.local [hbm:s3], $0xF7A  }
0x26: {  	[smem:$0x3F9D] =	sst s1;
	(tag) =	ssettag s2;
	_ =	strace s9  }
0x27: {  	s1 =	sld [smem:$0x3FAD]  }
0x28: {  	s2 =	sld [smem:$0x3FAE]  }
0x29: {  	s4 =	sld [smem:$0x3FB0]  }
0x2a: {  	p0 =	seq.s32 s5, $0x0;
	s5 =	sld [smem:$0x3FB1]  }
0x2b: {  	s6 =	sld [smem:$0x3FB2]  }
0x2c: {  	s7 =	sld [smem:$0x3FB3]  }
0x2d: {  	s3 =	simm.s32 $0x108;
	s8 =	sld [smem:$0x3FB4]  }
0x2e: {  	s3 =	simm.s32 @!p0 $0x1082;
	s9 =	sld [smem:$0x3FB5]  }
0x2f: {  	lr =	sadd.s32 s0, s3;
	s0 =	sld [smem:$0x3FAC]  }
0x30: {  	s3 =	sld [smem:$0x3FAF]  }
0x31: {  	[smem:$0x3FB8] =	sst s10  }
0x32: {  	s10 =	sld [smem:$0x3FB6];
	_ =	sdelay $0x3  }
0x33: {  	p0 =	seq.s32 s10, $0x1;
	s10 =	sld [smem:$0x3FB8];
	_ =	sdelay $0x3  }
0x34: {  	[smem:$0x3FB8] =	sst s10  }
0x35: {  	s10 =	sld [smem:$0x3FB7];
	_ =	sdelay $0x3  }
0x36: {  	p1 =	seq.s32 s10, $0x1;
	s10 =	sld [smem:$0x3FB8];
	_ =	sdelay $0x3  }
0x37: {  	[smem:$0x3FB8] =	sst s10  }
0x38: {  	s10 =	sld [smem:$0x3FB9]  }
0x39: {  	_ = 	snop;
	(pc) =	sbr.ind lr, $3  }
0x3a: {  	_ = 	snop  }
0x3b: {  	_ = 	snop  }
0x3c: {  	p2 =	seq.s32 s10, $0x1;
	s10 =	sld [smem:$0x3FB8]  }
0x3d: {  	_ =	shalt  }
0x3e: {  	_ =	shalt  }
0x3f: {  	_ =	shalt  }
0x40: {  	_ =	shalt  }
0x41: {  	_ =	shalt  }
0x42: {  	_ =	shalt  }
0x43: {  	_ =	shalt  }
0x44: {  	_ =	shalt  }
0x45: {  	_ =	shalt  }
0x46: {  	_ =	shalt  }
0x47: {  	_ =	shalt  }
0x48: {  	_ =	shalt  }
0x49: {  	_ =	shalt  }
0x4a: {  	_ =	shalt  }
0x4b: {  	_ =	shalt  }
0x4c: {  	_ =	shalt  }
0x4d: {  	_ =	shalt  }
0x4e: {  	_ =	shalt  }
0x4f: {  	_ =	shalt  }
0x50: {  	_ =	shalt  }
0x51: {  	_ =	shalt  }
0x52: {  	_ =	shalt  }
0x53: {  	_ =	shalt  }
0x54: {  	_ =	shalt  }
0x55: {  	_ =	shalt  }
0x56: {  	_ =	shalt  }
0x57: {  	_ =	shalt  }
0x58: {  	_ =	shalt  }
0x59: {  	_ =	shalt  }
0x5a: {  	_ =	shalt  }
0x5b: {  	_ =	shalt  }
0x5c: {  	_ =	shalt  }
0x5d: {  	_ =	shalt  }
0x5e: {  	_ =	shalt  }
0x5f: {  	_ =	shalt  }
0x60: {  	_ =	shalt  }
0x61: {  	_ =	shalt  }
0x62: {  	_ =	shalt  }
0x63: {  	_ =	shalt  }
0x64: {  	_ =	shalt  }
0x65: {  	_ =	shalt  }
0x66: {  	_ =	shalt  }
0x67: {  	_ =	shalt  }
0x68: {  	_ =	shalt  }
0x69: {  	_ =	shalt  }
0x6a: {  	_ =	shalt  }
0x6b: {  	_ =	shalt  }
0x6c: {  	_ =	shalt  }
0x6d: {  	_ =	shalt  }
0x6e: {  	_ =	shalt  }
0x6f: {  	_ =	shalt  }
0x70: {  	_ =	shalt  }
0x71: {  	_ =	shalt  }
0x72: {  	_ =	shalt  }
0x73: {  	_ =	shalt  }
0x74: {  	_ =	shalt  }
0x75: {  	_ =	shalt  }
0x76: {  	_ =	shalt  }
0x77: {  	_ =	shalt  }
0x78: {  	_ =	shalt  }
0x79: {  	_ =	shalt  }
0x7a: {  	_ =	shalt  }
0x7b: {  	_ =	shalt  }
0x7c: {  	_ =	shalt  }
0x7d: {  	_ =	shalt  }
0x7e: {  	_ =	shalt  }
0x7f: {  	_ =	shalt  }
0x80: {  	_ =	shalt  }
0x81: {  	_ =	shalt  }
0x82: {  	_ =	shalt  }
0x83: {  	_ =	shalt  }
0x84: {  	_ =	shalt  }
0x85: {  	_ =	shalt  }
0x86: {  	_ =	shalt  }
0x87: {  	_ =	shalt  }
.Lfunc_end0:
.L_simem_size_0:
called_computation_lowered:
.L_overlay_start_0:
0x88: {  	s2 =	sld [smem:$0x3FD9]  }
0x89: {  	s3 =	sld [smem:$0x3FFE];
	_ =	sdelay $0x1  }
0x8a: {  	s1 =	srdreg.scid  }
0x8b: {  	s0 =	sand.u32 $0x1, s1  }
0x8c: {  	s16 =	sshll.u32 s0, $0xA;
	s2 =	sadd.s32 s3, s2  }
0x8d: {  	s2 =	sadd.s32 s2, s16  }
0x8e: {  	[smem:$0x3FC4] =	sst s2  }
0x8f: {  	_ = 	snop  }
0x90: {  	(tm) =	ssettm $0x1  }
0x91: {  	s17 =	sld [smem:$0x3FFB];
	_ =	sdelay $0x3  }
0x92: {  	_ =	strace s17  }
0x93: {  	s2 =	sld [smem:$0x3FFC];
	_ =	sdelay $0x3  }
0x94: {  	_ =	strace s2  }
0x95: {  	s2 =	sld [smem:$0x3FFD];
	_ =	sdelay $0x3  }
0x96: {  	_ =	strace s2  }
0x97: {  	_ =	strace $0x8FFFFFFF  }
0x98: {  	s18 =	sld [smem:$0x3FDB];
	_ =	sdelay $0x1  }
0x99: {  	s19 =	simm.s32 $_scs_section_size  }
0x9a: {  	s4 =	simm.s32 $_size__tile_overlayer_lowered;
	s5 =	simm.s32 $_tile_overlayer_lowered  }
0x9b: {  	s22 =	simm.s32 $0x1BFF;
	s21 =	sshll.u32 s5, $0x1;
	s2 =	sadd.s32 s19, s18  }
0x9c: {  	s6 =	simm.s32 $0x0;
	s20 =	sshll.u32 s4, $0x1;
	s4 =	sadd.s32 s21, s2  }
0x9d: {  	[timem:s6], [sflag:s22] =	dma.local [hbm:s4], s20  }
0x9e: {  	_ =	swait.ge [sflag:s22], s20  }
0x9f: {  	s3 =	ssub.s32 $0x0, s20;
	[sflag:s22] =	ssyncset.done $0x0  }
0xa0: {  	[sflag:s22] =	ssyncadd.s32 s3;
	_ =	sdelay $0x1  }
0xa1: {  	s23 =	simm.s32 $0x1B8B  }
0xa2: {  	_ =	swait.ge [sflag:s23], $0x1  }
0xa3: {  	[sflag:s23] =	ssyncset.done $0x0  }
0xa4: {  	s25 =	simm.s32 $0x1B8E;
	s24 =	sld [smem:$0x3FFE];
	[sflag:s23] =	ssyncadd.s32 $0xFFFFFFFF  }
0xa5: {  	s26 =	simm.s32 $execute0_lowered;
	[smem:$0x3FD2] =	sst s25  }
0xa6: {  	s4 =	sshll.u32 s26, $0x1;
	_ =	strace $0x80000046;
	[dreg:$0x1] =	wrdreg $0xFFFFFFFF  }
0xa7: {  	s28 =	simm.s32 $_size_execute0_lowered;
	s2 =	sadd.s32 s2, s4;
	[dreg:$0x0] =	wrdreg $0x0  }
0xa8: {  	s4 =	sshll.u32 s28, $0x1;
	[dreg:$0x2] =	wrdreg s2  }
0xa9: {  	[dreg:$0x3] =	wrdreg s4  }
0xaa: {  	[dreg:$0x4] =	wrdreg $0xC0  }
0xab: {  	_ =	task [dreg:s6], $0x5FFFF  }
0xac: {  	[dreg:$0x1] =	wrdreg $0xFFFFFFFF  }
0xad: {  	[dreg:$0x0] =	wrdreg $0x60  }
0xae: {  	[dreg:$0x2] =	wrdreg s24  }
0xaf: {  	[dreg:$0x3] =	wrdreg $0x9  }
0xb0: {  	_ =	task.clear_ibuf [dreg:s6], $0x4FFFF;
	_ =	strace $0x90000046  }
0xb1: {  	s29 =	simm.s32 $0x9;
	_ =	strace $0x80000048  }
0xb2: {  	_ =	swait.ge [sflag:s29], $0x1  }
0xb3: {  	[sflag:s29] =	ssyncadd.s32 $0xFFFFFFFF  }
0xb4: {  	_ =	strace $0x90000048  }
0xb5: {  	_ =	sfence  }
0xb6: {  	s30 =	sld [smem:$0x0];
	_ =	sdelay $0x2  }
0xb7: {  	s31 =	sshll.u32 s1, $0xD;
	s1 =	sshrl.u32 s1, $0x2  }
0xb8: {  	s3 =	sand.u32 $0x4000, s31;
	s1 =	sadd.s32 s1, s30  }
0xb9: {  	s0 =	sor.u32 s3, s0;
	s1 =	sshll.u32 s1, $0x11  }
0xba: {  	s0 =	sor.u32 s1, s0  }
0xbb: {  	s0 =	sadd.s32 $0x8F2B, s0  }
0xbc: {  	[sflag:s0] =	ssyncadd.remote.s32 $0x1  }
0xbd: {  	_ =	sfence.sel $0xFFFF  }
0xbe: {  	[dreg:$0x0] =	wrdreg $0xFFFFFFFF;
	(pc) =	sbr.abs _section_cstart, $3  }
0xbf: {  	[dreg:$0x1] =	wrdreg $0xFFFFFFFF  }
0xc0: {  	_ =	task.clear_ibuf [dreg:s6], $0x2FFFF;
	_ =	strace $0x9FFFFFFF  }
0xc1: {  	(tm) =	ssettm $0x7FFFFFFF  }
tec
execute0_lowered:
.L_overlay_start_1:
0x0: {  	(tag) =	ssettag $0x1  }
0x1: {  	s0 =	rddreg [dreg:$0x0];
	s11 =	stileid.u32  }
0x2: {  	s2 =	simm.s32 $0x0;
	s8 =	srdreg.scid;
	s15 =	simm.s32 $0x80  }
0x3: {  	s16 =	simm.s32 $0x400;
	s17 =	simm.s32 $0x3F00;
	s18 =	simm.s32 $0x1  }
0x4: {  	s19 =	simm.s32 $0x7E00;
	s20 =	simm.s32 $0xBD00;
	s21 =	simm.s32 $0xFC00  }
0x5: {  	s22 =	simm.s32 $0x13B00;
	s23 =	simm.s32 $0x14380;
	s24 =	simm.s32 $0x14C00  }
0x6: {  	s25 =	simm.s32 $0x15400;
	s26 =	simm.s32 $0x15C00;
	s28 =	simm.s32 $0x16400  }
0x7: {  	s1 =	sshrl.u32 s11, $0x2;
	[smem:$0x7FF] =	sst s2;
	s3 =	sadd.s32 $0x9F000, s0  }
0x8: {  	s5 =	sadd.s32 $0x25400, s0;
	s6 =	sadd.s32 $0x39400, s0;
	s7 =	sadd.s32 $0x4D400, s0  }
0x9: {  	s10 =	sand.u32 $0x1, s8;
	s11 =	sshll.u32 s11, $0x1;
	s8 =	sadd.s32 $0x61400, s0  }
0xa: {  	s4 =	smul.u32 $0x3F00, s1;
	_ =	strace $0x80000047;
	s30 =	ssub.s32 $0x2, s10  }
0xb: {  	s11 =	sand.u32 $0x6, s11;
	s1 =	smul.u32 $0x50, s1;
	s12 =	sshrl.u32 s30, $0x1  }
0xc: {  	s10 =	sor.u32 s10, s11;
	s9 =	sadd.s32 s4, s0;
	s4 =	sadd.s32 $0x11400, s0  }
0xd: {  	s0 =	ssub.s32 s30, s12;
	s13 =	smul.u32 $0xA, s10;
	s31 =	sadd.s32 $0x1800, s9  }
0xe: {  	v2 =	vlaneseq.u32;
	s10 =	sadd.s32 $0x1810, s9;
	s11 =	sadd.s32 $0x1820, s9;
	s12 =	sadd.s32 $0x1830, s9  }
0xf: {  	v0 =	vimm.f32 $-1.000000020e+30;
	v1 =	vimm.s32 $0x0;
	v2 =	vor.u32 $0x800, v2;
	s14 =	smax.u32 s0, $0x1;
	[dreg:$0x2] =	wrdreg s31;
	s13 =	sadd.s32 s1, s13  }
.LBB2_1:
0x10: {  	s0 =	rddreg [dreg:$0x2]  }
0x11: {  	[tilespmem:s17], [sflag:$0x1] =	stream.strided.gather [hbm4b:s0+s15], $0x3F00, s16, s15, $0x38;
	[tilespmem:$0x16C00] =	vst v63  }
0x12: {  	_ =	swait.ge [sflag:s18], $0x3F00  }
0x13: {  	[sflag:s18] =	ssyncset.done $0x0  }
0x14: {  	[sflag:s18] =	ssyncadd.s32 $0xFFFFC100  }
0x15: {  	[tilespmem:s19], [sflag:$0x1] =	stream.strided.gather [hbm4b:s10+s15], $0x3F00, s16, s15, $0x38;
	[tilespmem:$0x16C00] =	vst v63  }
0x16: {  	_ =	swait.ge [sflag:s18], $0x3F00  }
0x17: {  	[sflag:s18] =	ssyncset.done $0x0  }
0x18: {  	[sflag:s18] =	ssyncadd.s32 $0xFFFFC100  }
0x19: {  	[tilespmem:s20], [sflag:$0x1] =	stream.strided.gather [hbm4b:s11+s15], $0x3F00, s16, s15, $0x38;
	[tilespmem:$0x16C00] =	vst v63  }
0x1a: {  	_ =	swait.ge [sflag:s18], $0x3F00  }
0x1b: {  	[sflag:s18] =	ssyncset.done $0x0  }
0x1c: {  	[sflag:s18] =	ssyncadd.s32 $0xFFFFC100  }
0x1d: {  	[tilespmem:s21], [sflag:$0x1] =	stream.strided.gather [hbm4b:s12+s15], $0x3F00, s16, s15, $0x38;
	[tilespmem:$0x16C00] =	vst v63  }
0x1e: {  	_ =	swait.ge [sflag:s18], $0x3F00  }
0x1f: {  	[sflag:s18] =	ssyncset.done $0x0  }
0x20: {  	s29 =	simm.s32 $0x0;
	[sflag:s18] =	ssyncadd.s32 $0xFFFFC100  }
.LBB2_2:
0x21: {  	s0 =	sadd.s32 s29, s13  }
0x22: {  	s30 =	sshrl.u32 s0, $0x3  }
0x23: {  	s0 =	sshll.u32 s0, $0x7;
	s1 =	smul.u32 $0x1F800, s30  }
0x24: {  	s31 =	sand.u32 $0x380, s0  }
0x25: {  	s0 =	sor.u32 s31, s1  }
0x26: {  	s0 =	sshrl.u32 s0, $0x3  }
0x27: {  	s9 =	sadd.s32 s3, s0;
	s0 =	simm.s32 $0x0  }
0x28: {  	[tilespmem:s0], [sflag:$0x1] =	stream.strided.gather [hbm4b:s9+s15], $0x3F00, s16, s15, $0x38;
	[tilespmem:$0x16C00] =	vst v63  }
0x29: {  	_ =	swait.ge [sflag:s18], $0x3F00  }
0x2a: {  	[sflag:s18] =	ssyncset.done $0x0  }
0x2b: {  	s1 =	simm.s32 $0x0;
	[sflag:s18] =	ssyncadd.s32 $0xFFFFC100  }
.LBB2_3:
0x2c: {  	p0 =	sne.s32 s1, $0x2000  }
.Ltmp0:
0x2d: {  	_ = 	snop;
	(pc) =	sbr.rel @p0 .LBB2_3-.Ltmp0, $4  }
0x2e: {  	_ = 	snop  }
0x2f: {  	s9 =	sshra.s32 s1, $0x2  }
0x30: {  	v4 =	vimm.s32 $0x0;
	[tilespmem:s9+$0x13B00] =	vst v0  }
0x31: {  	s1 =	sadd.s32 $0x40, s1;
	[tilespmem:s9+$0x14380] =	vst v4  }
0x32: {  	v3 =	vlaneseq.u32  }
.LBB2_5:
0x33: {  	s1 =	sshra.s32 s0, $0x2  }
0x34: {  	v5 =	vld [tilespmem:s1+$0x0];
	_ =	sdelay $0x4  }
0x35: {  	vm0 =	vgt.f32 v5, $0.0e+00  }
0x36: {  	v6 =	vsel vm0, $0x1, v1  }
0x37: {  	(xrf0) =	vadd.scan.msk.s32 $0xffff, v6;
	_ =	sdelay $0x5  }
0x38: {  	v6, _, _ =	vpop (xrf0)  }
0x39: {  	v6 =	vadd.s32 v6, v4  }
0x3a: {  	v6 =	vadd.s32 $0xFFFFFFFF, v6  }
0x3b: {  	v6 =	vsel vm0, v6, v2;
	_ =	sdelay $0x4  }
0x3c: {  	[tilespmem:v6+s22+$0x0] =	vst.idx.msk $0xffff, v5  }
0x3d: {  	[tilespmem:v6+s23+$0x0] =	vst.idx.msk $0xffff, v3  }
0x3e: {  	v5 =	vld [tilespmem:s1+$0x10];
	_ =	sdelay $0x4  }
0x3f: {  	vm1 =	vgt.f32 v5, $0.0e+00  }
0x40: {  	v6 =	vsel vm1, $0x1, v1  }
0x41: {  	(xrf0) =	vadd.scan.msk.s32 $0xffff, v6;
	_ =	sdelay $0x1  }
0x42: {  	v6 =	vmpcnt.ones.xlane vm0;
	_ =	sdelay $0x3  }
0x43: {  	v4 =	vadd.s32 v4, v6;
	v6, _, _ =	vpop (xrf0)  }
0x44: {  	v6 =	vadd.s32 v6, v4  }
0x45: {  	v6 =	vadd.s32 $0xFFFFFFFF, v6  }
0x46: {  	v6 =	vsel vm1, v6, v2  }
0x47: {  	p0 =	sne.s32 s0, $0xFB80  }
.Ltmp1:
0x48: {  	_ = 	snop;
	(pc) =	sbr.rel @p0 .LBB2_5-.Ltmp1, $4  }
0x49: {  	_ = 	snop  }
0x4a: {  	v7 =	vmpcnt.ones.xlane vm1  }
0x4b: {  	[tilespmem:v6+s22+$0x0] =	vst.idx.msk $0xffff, v5;
	v5 =	vadd.s32 $0x10, v3  }
0x4c: {  	s0 =	sadd.s32 $0x80, s0;
	v4 =	vadd.s32 v4, v7;
	v3 =	vadd.s32 $0x20, v3;
	[tilespmem:v6+s23+$0x0] =	vst.idx.msk $0xffff, v5  }
0x4d: {  	s0 =	simm.s32 $0x0  }
0x4e: {  	v3 =	vld [tilespmem:s0+$0x14380];
	_ =	sdelay $0x7  }
0x4f: {  	v4 =	vld.idx.msk [tilespmem:v3+s17+$0x0], $0xffff;
	_ =	sdelay $0x4  }
0x50: {  	[tilespmem:s0+$0x14C00] =	vst v4  }
0x51: {  	v4 =	vld.idx.msk [tilespmem:v3+s19+$0x0], $0xffff;
	_ =	sdelay $0x4  }
0x52: {  	[tilespmem:s0+$0x15400] =	vst v4  }
0x53: {  	v4 =	vld.idx.msk [tilespmem:v3+s20+$0x0], $0xffff;
	_ =	sdelay $0x3  }
0x54: {  	s9 =	simm.s32 $0x10;
	s1 =	simm.s32 $0x80  }
.LBB2_7:
0x55: {  	p0 =	sne.s32 s1, $0x1FC0;
	v5 =	vld [tilespmem:s9+$0x14380];
	[tilespmem:s0+$0x15C00] =	vst v4  }
0x56: {  	v4 =	vld.idx.msk [tilespmem:v3+s21+$0x0], $0xffff;
	_ =	sdelay $0x3  }
0x57: {  	v3 =	vmov v5;
	_ =	sdelay $0x1  }
0x58: {  	[tilespmem:s0+$0x16400] =	vst v4;
	s0 =	smov.u32 s9  }
0x59: {  	v4 =	vld.idx.msk [tilespmem:v5+s17+$0x0], $0xffff;
	_ =	sdelay $0x5  }
0x5a: {  	[tilespmem:s0+$0x14C00] =	vst v4  }
0x5b: {  	v4 =	vld.idx.msk [tilespmem:v5+s19+$0x0], $0xffff;
	_ =	sdelay $0x5  }
0x5c: {  	[tilespmem:s0+$0x15400] =	vst v4  }
0x5d: {  	v4 =	vld.idx.msk [tilespmem:v5+s20+$0x0], $0xffff  }
.Ltmp2:
0x5e: {  	(pc) =	sbr.rel @p0 .LBB2_7-.Ltmp2, $2  }
0x5f: {  	_ =	sdelay $0x2  }
0x60: {  	s9 =	sshra.s32 s1, $0x2;
	s1 =	sadd.s32 $0x40, s1  }
0x61: {  	_ =	sdelay $0x1  }
0x62: {  	v5 =	vld [tilespmem:s9+$0x14380]  }
0x63: {  	[tilespmem:s0+$0x15C00] =	vst v4  }
0x64: {  	v3 =	vld.idx.msk [tilespmem:v3+s21+$0x0], $0xffff;
	_ =	sdelay $0x4  }
0x65: {  	[tilespmem:s0+$0x16400] =	vst v3  }
0x66: {  	v3 =	vld.idx.msk [tilespmem:v5+s17+$0x0], $0xffff;
	_ =	sdelay $0x4  }
0x67: {  	[tilespmem:s9+$0x14C00] =	vst v3  }
0x68: {  	v3 =	vld.idx.msk [tilespmem:v5+s19+$0x0], $0xffff;
	_ =	sdelay $0x4  }
0x69: {  	[tilespmem:s9+$0x15400] =	vst v3  }
0x6a: {  	v3 =	vld.idx.msk [tilespmem:v5+s20+$0x0], $0xffff;
	_ =	sdelay $0x4  }
0x6b: {  	[tilespmem:s9+$0x15C00] =	vst v3  }
0x6c: {  	v3 =	vld.idx.msk [tilespmem:v5+s21+$0x0], $0xffff;
	_ =	sdelay $0x1  }
0x6d: {  	s1 =	sshll.u32 s30, $0xE  }
0x6e: {  	s0 =	sor.u32 s31, s1  }
0x6f: {  	s0 =	sshrl.u32 s0, $0x3  }
0x70: {  	s1 =	sadd.s32 s4, s0;
	[tilespmem:s9+$0x16400] =	vst v3  }
0x71: {  	[hbm4b:s1+s15] =	stream.strided.scatter [tilespmem:s22], [sflag:$0x1], $0x800, s16, s15, $0x38;
	[tilespmem:$0x16C00] =	vst v63  }
0x72: {  	_ =	swait.ge [sflag:s18], $0x800  }
0x73: {  	[sflag:s18] =	ssyncset.done $0x0  }
0x74: {  	s9 =	sadd.s32 s5, s0;
	[sflag:s18] =	ssyncadd.s32 $0xFFFFF800  }
0x75: {  	[hbm4b:s9+s15] =	stream.strided.scatter [tilespmem:s24], [sflag:$0x1], $0x800, s16, s15, $0x38;
	[tilespmem:$0x16C00] =	vst v63  }
0x76: {  	_ =	swait.ge [sflag:s18], $0x800  }
0x77: {  	[sflag:s18] =	ssyncset.done $0x0  }
0x78: {  	s30 =	sadd.s32 s6, s0;
	[sflag:s18] =	ssyncadd.s32 $0xFFFFF800  }
0x79: {  	[hbm4b:s30+s15] =	stream.strided.scatter [tilespmem:s25], [sflag:$0x1], $0x800, s16, s15, $0x38;
	[tilespmem:$0x16C00] =	vst v63  }
0x7a: {  	_ =	swait.ge [sflag:s18], $0x800  }
0x7b: {  	[sflag:s18] =	ssyncset.done $0x0  }
0x7c: {  	s31 =	sadd.s32 s7, s0;
	[sflag:s18] =	ssyncadd.s32 $0xFFFFF800  }
0x7d: {  	[hbm4b:s31+s15] =	stream.strided.scatter [tilespmem:s26], [sflag:$0x1], $0x800, s16, s15, $0x38;
	[tilespmem:$0x16C00] =	vst v63  }
0x7e: {  	s29 =	sadd.s32 $0x1, s29;
	_ =	swait.ge [sflag:s18], $0x800  }
0x7f: {  	p0 =	sne.s32 s29, $0xA;
	[sflag:s18] =	ssyncset.done $0x0  }
.Ltmp3:
0x80: {  	s0 =	sadd.s32 s8, s0;
	[sflag:s18] =	ssyncadd.s32 $0xFFFFF800;
	(pc) =	sbr.rel @p0 .LBB2_2-.Ltmp3, $4  }
0x81: {  	[hbm4b:s0+s15] =	stream.strided.scatter [tilespmem:s28], [sflag:$0x1], $0x800, s16, s15, $0x38;
	[tilespmem:$0x16C00] =	vst v63  }
0x82: {  	_ =	swait.ge [sflag:s18], $0x800  }
0x83: {  	[sflag:s18] =	ssyncset.done $0x0  }
0x84: {  	[sflag:s18] =	ssyncadd.s32 $0xFFFFF800  }
0x85: {  	s2 =	sadd.s32 $0x1, s2  }
0x86: {  	p0 =	sne.s32 s2, s14  }
.Ltmp4:
0x87: {  	_ = 	snop;
	(pc) =	sbr.rel @p0 .LBB2_1-.Ltmp4, $1  }
0x88: {  	_ =	sdelay $0x3  }
0x89: {  	_ =	sfence.sel $0x180000  }
0x8a: {  	[bflag:$0x0] =	sbarrier.arrive $0xFFFF  }
0x8b: {  	_ =	strace $0x90000047  }
0x8c: {  	s0 =	stileid.u32;
	[bflag:$0x2] =	sbarrier.arrive $0xFFFF  }
0x8d: {  	p0 =	sne.s32 s0, $0x0;
	s0 =	rddreg [dreg:$0x1]  }
0x8e: {  	s0 =	sadd.s32 @!p0 $0x100000, s0  }
0x8f: {  	[sflag:s0] =	ssyncadd.tile.s32 @!p0 $0x1;
	_ =	shalt  }
.Lfunc_end2:
_tile_overlayer_lowered:
.L_overlay_start_2:
0x90: {  	(tag) =	ssettag $0x2  }
0x91: {  	s0 =	rddreg [dreg:$0x0];
	s2 =	stileid.u32  }
0x92: {  	s1 =	rddreg [dreg:$0x1];
	p0 =	sne.s32 s2, $0x0  }
0x93: {  	s3 =	rddreg [dreg:$0x2];
	[bflag:$0x3] =	sbarrier.arrive $0xFFFF;
	s2 =	simm.s32 @!p0 $0x1C01  }
0x94: {  	[timem:s3], [sflag:s2] =	dma.local @!p0 [hbm:s0], s1  }
0x95: {  	s0 =	simm.s32 @!p0 $0x1  }
0x96: {  	_ =	swait.ge @!p0 [sflag:s0], s1  }
0x97: {  	s1 =	ssub.s32 @!p0 $0x0, s1;
	[sflag:s0] =	ssyncset.done @!p0 $0x0  }
0x98: {  	[sflag:s0] =	ssyncadd.s32 @!p0 s1  }
0x99: {  	[bflag:$0x3] =	sbarrier.arrive $0xFFFF  }
0x9a: {  	_ =	shalt  }

</sc_bundles>
